<compile_context>
chip_gen: v7x
topology: tpu7x:2x2x1
jax: 0.10.2.dev20260603
libtpu: 0.0.44.dev20260713+nightly
codegen_flags: <defaults>
</compile_context>

<pallas_src>
import dataclasses
import functools

import jax
import jax.numpy as jnp
from jax import lax
from jax.experimental import pallas as pl
from jax.experimental.pallas import tpu as pltpu
from jax.experimental.pallas import tpu_sc as plsc

N = 10000
E = 320000
D = 128
SW = 16
NC = 2
NS = 16
NL = 16
CHUNK = 128
E_PAD = 323584
EPW = E_PAD // (NC * NS)
CH2 = EPW // CHUNK
EPS = E_PAD // NS
CH4 = EPS // CHUNK
N_ACC = 10240
NPS = N_ACC // NS
BE = 1024
BN = 2000


def _mesh():
    return plsc.VectorSubcoreMesh(core_axis_name="c", subcore_axis_name="s",
                                  num_cores=NC, num_subcores=NS)


def _sc_params():
    return pltpu.CompilerParams(use_tc_tiling_on_sc=False)



def _k1_body(x_ref, w_ref, b_ref, h_ref):
    h_ref[...] = (jnp.dot(x_ref[...], w_ref[...],
                          preferred_element_type=jnp.float32) + b_ref[...])


def _k1(x, W_in, b_in):
    return pl.pallas_call(
        _k1_body,
        out_shape=jax.ShapeDtypeStruct((N, D), jnp.float32),
    )(x, W_in, b_in.reshape(1, D))



def _k2(h, pos16, src_p, dst_p):
    @functools.partial(
        pl.kernel,
        out_type=[jax.ShapeDtypeStruct((E_PAD, D), jnp.float32),
                  jax.ShapeDtypeStruct((E_PAD, D), jnp.float32),
                  jax.ShapeDtypeStruct((E_PAD, SW), jnp.float32),
                  jax.ShapeDtypeStruct((E_PAD, SW), jnp.float32)],
        mesh=_mesh(),
        scratch_types=[pltpu.VMEM((CHUNK,), jnp.int32),
                       pltpu.VMEM((CHUNK,), jnp.int32),
                       pltpu.VMEM((CHUNK, D), jnp.float32),
                       pltpu.VMEM((CHUNK, D), jnp.float32),
                       pltpu.VMEM((CHUNK, SW), jnp.float32),
                       pltpu.VMEM((CHUNK, SW), jnp.float32),
                       pltpu.SemaphoreType.DMA],
        compiler_params=_sc_params(),
    )
    def k2(h_hbm, p_hbm, srci_hbm, dsti_hbm, osrc, odst, ops, opd,
           idx_s, idx_d, rows_s, rows_d, prow_s, prow_d, sem):
        wid = lax.axis_index("s") * NC + lax.axis_index("c")

        @pl.loop(0, CH2)
        def _(c):
            base = wid * EPW + c * CHUNK
            dsl = pl.ds(base, CHUNK)
            pltpu.sync_copy(srci_hbm.at[dsl], idx_s)
            pltpu.sync_copy(dsti_hbm.at[dsl], idx_d)
            cp1 = pltpu.async_copy(h_hbm.at[idx_s], rows_s, sem)
            cp2 = pltpu.async_copy(h_hbm.at[idx_d], rows_d, sem)
            cp3 = pltpu.async_copy(p_hbm.at[idx_s], prow_s, sem)
            cp4 = pltpu.async_copy(p_hbm.at[idx_d], prow_d, sem)
            cp1.wait()
            cp2.wait()
            cp3.wait()
            cp4.wait()
            pltpu.sync_copy(rows_s, osrc.at[dsl])
            pltpu.sync_copy(rows_d, odst.at[dsl])
            pltpu.sync_copy(prow_s, ops.at[dsl])
            pltpu.sync_copy(prow_d, opd.at[dsl])

    return k2(h, pos16, src_p, dst_p)



def _k3_body(hs_ref, hd_ref, ps_ref, pd_ref,
             wm1s_ref, wm1d_ref, bm1_ref, wm2_ref, bm2_ref,
             aws_ref, awd_ref, ab_ref,
             we1s_ref, we1d_ref, wd2_ref, be1_ref, we2_ref, be2_ref, wp_ref,
             oa_ref, ob_ref, os_ref):
    i = pl.program_id(0)
    hs = hs_ref[...]
    hd = hd_ref[...]
    f32 = jnp.float32
    pre_m = (jnp.dot(hs, wm1s_ref[...], preferred_element_type=f32)
             + jnp.dot(hd, wm1d_ref[...], preferred_element_type=f32)
             + bm1_ref[...])
    m = (jnp.dot(jnp.maximum(pre_m, 0.0), wm2_ref[...],
                 preferred_element_type=f32) + bm2_ref[...])
    logits = (jnp.dot(hs, aws_ref[...], preferred_element_type=f32)
              + jnp.dot(hd, awd_ref[...], preferred_element_type=f32)
              + ab_ref[...])
    e = jnp.exp(logits)
    rel = ps_ref[:, 0:3] - pd_ref[:, 0:3]
    d2 = jnp.sum(rel * rel, axis=1, keepdims=True)
    pre_e = (jnp.dot(hs, we1s_ref[...], preferred_element_type=f32)
             + jnp.dot(hd, we1d_ref[...], preferred_element_type=f32)
             + d2 * wd2_ref[...]
             + be1_ref[...])
    me = (jnp.dot(jnp.maximum(pre_e, 0.0), we2_ref[...],
                  preferred_element_type=f32) + be2_ref[...])
    coef = jnp.dot(me, wp_ref[...], preferred_element_type=f32)
    eid = i * BE + lax.broadcasted_iota(jnp.int32, (BE, 1), 0)
    mask = jnp.where(eid < E, 1.0, 0.0).astype(f32)
    oa_ref[...] = m * e * mask
    ob_ref[...] = me * mask
    small = jnp.concatenate(
        [e, jnp.ones_like(e), rel * coef, jnp.zeros((BE, SW - 5), f32)], axis=1)
    os_ref[...] = small * mask


def _k3(hsrc, hdst, psrc, pdst, W_m1, b_m1, W_m2, b_m2, a_w, a_b, W_e1, b_e1,
        W_e2, b_e2, W_p):
    grid = (E_PAD // BE,)
    blk = lambda r, c: pl.BlockSpec((r, c), lambda i: (i, 0))
    wblk = lambda r, c: pl.BlockSpec((r, c), lambda i: (0, 0))
    return pl.pallas_call(
        _k3_body,
        grid=grid,
        in_specs=[blk(BE, D), blk(BE, D), blk(BE, SW), blk(BE, SW),
                  wblk(D, D), wblk(D, D), wblk(1, D), wblk(D, D), wblk(1, D),
                  wblk(D, 1), wblk(D, 1), wblk(1, 1),
                  wblk(D, D), wblk(D, D), wblk(1, D), wblk(1, D), wblk(D, D),
                  wblk(1, D), wblk(D, 1)],
        out_specs=[blk(BE, D), blk(BE, D), blk(BE, SW)],
        out_shape=[jax.ShapeDtypeStruct((E_PAD, D), jnp.float32),
                   jax.ShapeDtypeStruct((E_PAD, D), jnp.float32),
                   jax.ShapeDtypeStruct((E_PAD, SW), jnp.float32)],
    )(hsrc, hdst, psrc, pdst,
      W_m1[:D], W_m1[D:], b_m1.reshape(1, D), W_m2, b_m2.reshape(1, D),
      a_w[:D], a_w[D:], a_b.reshape(1, 1),
      W_e1[:D], W_e1[D:2 * D], W_e1[2 * D:2 * D + 1], b_e1.reshape(1, D),
      W_e2, b_e2.reshape(1, D), W_p)



def _k4(oA, oB, oS, dst_p, z128, z16):
    @functools.partial(
        pl.kernel,
        out_type=[jax.ShapeDtypeStruct((N_ACC, D), jnp.float32),
                  jax.ShapeDtypeStruct((N_ACC, D), jnp.float32),
                  jax.ShapeDtypeStruct((N_ACC, SW), jnp.float32)],
        mesh=_mesh(),
        scratch_types=[pltpu.VMEM_SHARED((N_ACC, D), jnp.float32),
                       pltpu.VMEM_SHARED((N_ACC, SW), jnp.float32),
                       pltpu.VMEM((CHUNK,), jnp.int32),
                       pltpu.VMEM((CHUNK, D), jnp.float32),
                       pltpu.VMEM((CHUNK, SW), jnp.float32)],
        compiler_params=_sc_params(),
    )
    def k4(a_hbm, b_hbm, s_hbm, dsti_hbm, z128_hbm, z16_hbm,
           occ, oet, osm, acc, accs, idx_v, val_v, sval_v):
        cid = lax.axis_index("c")
        sid = lax.axis_index("s")
        rows = pl.ds(sid * NPS, NPS)
        pltpu.sync_copy(z128_hbm, acc.at[rows])
        pltpu.sync_copy(z16_hbm, accs.at[rows])
        plsc.subcore_barrier()

        @pl.when(cid == 0)
        def _():
            @pl.loop(0, CH4)
            def _(c):
                base = sid * EPS + c * CHUNK
                dsl = pl.ds(base, CHUNK)
                pltpu.sync_copy(dsti_hbm.at[dsl], idx_v)
                pltpu.sync_copy(a_hbm.at[dsl], val_v)
                pltpu.sync_copy(val_v, acc.at[idx_v], add=True)

        @pl.when(cid == 1)
        def _():
            @pl.loop(0, CH4)
            def _(c):
                base = sid * EPS + c * CHUNK
                dsl = pl.ds(base, CHUNK)
                pltpu.sync_copy(dsti_hbm.at[dsl], idx_v)
                pltpu.sync_copy(b_hbm.at[dsl], val_v)
                pltpu.sync_copy(s_hbm.at[dsl], sval_v)
                pltpu.sync_copy(val_v, acc.at[idx_v], add=True)
                pltpu.sync_copy(sval_v, accs.at[idx_v], add=True)

        plsc.subcore_barrier()

        @pl.when(cid == 0)
        def _():
            pltpu.sync_copy(acc.at[rows], occ.at[rows])

        @pl.when(cid == 1)
        def _():
            pltpu.sync_copy(acc.at[rows], oet.at[rows])
            pltpu.sync_copy(accs.at[rows], osm.at[rows])

    return k4(oA, oB, oS, dst_p, z128, z16)



def _k5_body(cca_ref, ccb_ref, ccs_ref, h_ref, pos_ref,
             wf1t_ref, wf1b_ref, bf1_ref, wf2_ref, bf2_ref, g_ref, be_ref,
             out_ref, pu_ref):
    f32 = jnp.float32
    ccs = ccs_ref[...]
    denom = ccs[:, 0:1]
    deg = ccs[:, 1:2]
    pacc = ccs[:, 2:5]
    ccm = cca_ref[...] / (denom + 1e-9)
    et = ccb_ref[...]
    t1 = jnp.maximum(
        jnp.dot(ccm, wf1t_ref[...], preferred_element_type=f32)
        + jnp.dot(et, wf1b_ref[...], preferred_element_type=f32)
        + bf1_ref[...], 0.0)
    s = jnp.dot(t1, wf2_ref[...], preferred_element_type=f32) + bf2_ref[...]
    mx = jnp.max(s, axis=1, keepdims=True)
    es = jnp.exp(s - mx)
    aw = es / jnp.sum(es, axis=1, keepdims=True)
    fused = aw[:, 0:1] * ccm + aw[:, 1:2] * et
    res = fused + h_ref[...]
    mu = jnp.mean(res, axis=1, keepdims=True)
    cen = res - mu
    var = jnp.mean(cen * cen, axis=1, keepdims=True)
    out_ref[...] = cen / jnp.sqrt(var + 1e-5) * g_ref[...] + be_ref[...]
    pu_ref[...] = pos_ref[...] + pacc / (deg + 1.0)


def _k5(ccA, ccB, ccS, h, pos, W_f1, b_f1, W_f2, b_f2, gamma, beta):
    grid = (N // BN,)
    blk = lambda r, c: pl.BlockSpec((r, c), lambda i: (i, 0))
    wblk = lambda r, c: pl.BlockSpec((r, c), lambda i: (0, 0))
    return pl.pallas_call(
        _k5_body,
        grid=grid,
        in_specs=[blk(BN, D), blk(BN, D), blk(BN, SW), blk(BN, D), blk(BN, 3),
                  wblk(D, D), wblk(D, D), wblk(1, D), wblk(D, 2), wblk(1, 2),
                  wblk(1, D), wblk(1, D)],
        out_specs=[blk(BN, D), blk(BN, 3)],
        out_shape=[jax.ShapeDtypeStruct((N, D), jnp.float32),
                   jax.ShapeDtypeStruct((N, 3), jnp.float32)],
    )(ccA, ccB, ccS, h, pos,
      W_f1[:D], W_f1[D:], b_f1.reshape(1, D), W_f2, b_f2.reshape(1, 2),
      gamma.reshape(1, D), beta.reshape(1, D))


def kernel(x, pos, edge_index, W_in, b_in, W_m1, b_m1, W_m2, b_m2, a_w, a_b,
           W_e1, b_e1, W_e2, b_e2, W_p, W_f1, b_f1, W_f2, b_f2, gamma, beta):
    src_p = jnp.pad(edge_index[0], (0, E_PAD - E))
    dst_p = jnp.pad(edge_index[1], (0, E_PAD - E))
    z128 = jnp.zeros((NPS, D), jnp.float32)
    z16 = jnp.zeros((NPS, SW), jnp.float32)
    pos16 = jnp.pad(pos, ((0, 0), (0, SW - 3)))
    h = _k1(x, W_in, b_in)
    hsrc, hdst, psrc, pdst = _k2(h, pos16, src_p, dst_p)
    oA, oB, oS = _k3(hsrc, hdst, psrc, pdst, W_m1, b_m1, W_m2, b_m2, a_w, a_b,
                     W_e1, b_e1, W_e2, b_e2, W_p)
    ccA, ccB, ccS = _k4(oA, oB, oS, dst_p, z128, z16)
    return _k5(ccA[:N], ccB[:N], ccS[:N], h, pos, W_f1, b_f1, W_f2, b_f2,
               gamma, beta)

# --- scband reference (transcript-rebuilt; emitter-appended) ---
"""Pipeline reference for scband-etnnenhanced-hierarchical-model-88622355186346 (READ-ONLY COPY).

The authoritative reference and input builder live on the scoring server;
editing this copy changes nothing except your own understanding.
"""

import jax, jax.numpy as jnp
import numpy as np

N = 10000
E = 320000
D = 128
S = 3

def setup_inputs(seed: int = 0) -> dict:
    key = jax.random.key(seed)
    ks = jax.random.split(key, 24)
    s = 0.05
    inp = {}
    inp['x'] = jax.random.normal(ks[0], (N, D), jnp.float32)
    inp['pos'] = jax.random.normal(ks[1], (N, S), jnp.float32)
    inp['edge_index'] = jax.random.randint(ks[2], (2, E), 0, N, dtype=jnp.int32)
    inp['W_in'] = jax.random.normal(ks[3], (D, D), jnp.float32) * s
    inp['b_in'] = jnp.zeros((D,), jnp.float32)
    inp['W_m1'] = jax.random.normal(ks[4], (2 * D, D), jnp.float32) * s
    inp['b_m1'] = jnp.zeros((D,), jnp.float32)
    inp['W_m2'] = jax.random.normal(ks[5], (D, D), jnp.float32) * s
    inp['b_m2'] = jnp.zeros((D,), jnp.float32)
    inp['a_w'] = jax.random.normal(ks[6], (2 * D, 1), jnp.float32) * s
    inp['a_b'] = jnp.zeros((1,), jnp.float32)
    inp['W_e1'] = jax.random.normal(ks[7], (2 * D + 1, D), jnp.float32) * s
    inp['b_e1'] = jnp.zeros((D,), jnp.float32)
    inp['W_e2'] = jax.random.normal(ks[8], (D, D), jnp.float32) * s
    inp['b_e2'] = jnp.zeros((D,), jnp.float32)
    inp['W_p'] = jax.random.normal(ks[9], (D, 1), jnp.float32) * s
    inp['W_f1'] = jax.random.normal(ks[10], (2 * D, D), jnp.float32) * s
    inp['b_f1'] = jnp.zeros((D,), jnp.float32)
    inp['W_f2'] = jax.random.normal(ks[11], (D, 2), jnp.float32) * s
    inp['b_f2'] = jnp.zeros((2,), jnp.float32)
    inp['gamma'] = jnp.ones((D,), jnp.float32)
    inp['beta'] = jnp.zeros((D,), jnp.float32)
    return inp

def reference(x, pos, edge_index, W_in, b_in, W_m1, b_m1, W_m2, b_m2, a_w, a_b,
              W_e1, b_e1, W_e2, b_e2, W_p, W_f1, b_f1, W_f2, b_f2, gamma, beta):
    # input projection
    h = x @ W_in + b_in
    orig = h
    src = edge_index[0]
    dst = edge_index[1]
    h_src = h[src]
    h_dst = h[dst]
    # --- CCMPN branch: attention-weighted message passing ---
    m_in = jnp.concatenate([h_src, h_dst], axis=-1)
    m = jax.nn.relu(m_in @ W_m1 + b_m1) @ W_m2 + b_m2
    logits = (m_in @ a_w + a_b)[:, 0]
    mx = jax.ops.segment_max(logits, dst, num_segments=N)
    mx = jnp.where(jnp.isfinite(mx), mx, 0.0)
    e = jnp.exp(logits - mx[dst])
    denom = jax.ops.segment_sum(e, dst, num_segments=N)
    alpha = e / (denom[dst] + 1e-9)
    ccmpn = jax.ops.segment_sum(m * alpha[:, None], dst, num_segments=N)
    # --- ETNN branch: geometric-invariant message passing + position update ---
    rel = pos[src] - pos[dst]
    d2 = jnp.sum(rel * rel, axis=-1, keepdims=True)
    e_in = jnp.concatenate([h_src, h_dst, d2], axis=-1)
    me = jax.nn.relu(e_in @ W_e1 + b_e1) @ W_e2 + b_e2
    etnn = jax.ops.segment_sum(me, dst, num_segments=N)
    coef = me @ W_p
    deg = jax.ops.segment_sum(jnp.ones_like(logits), dst, num_segments=N)
    pos_upd = pos + jax.ops.segment_sum(rel * coef, dst, num_segments=N) / (deg[:, None] + 1.0)
    # --- attention fusion ---
    comb = jnp.concatenate([ccmpn, etnn], axis=-1)
    aw = jax.nn.softmax(jax.nn.relu(comb @ W_f1 + b_f1) @ W_f2 + b_f2, axis=-1)
    fused = aw[:, 0:1] * ccmpn + aw[:, 1:2] * etnn
    # residual + layer norm
    res = fused + orig
    mu = res.mean(axis=-1, keepdims=True)
    var = res.var(axis=-1, keepdims=True)
    out = (res - mu) / jnp.sqrt(var + 1e-5) * gamma + beta
    return (out, pos_upd)

if __name__ == "__main__":
    import jax
    _d = setup_inputs()
    print(jax.jit(kernel)(*tuple(_d.values())))

</pallas_src>

<mosaic_0001>
#map = affine_map<(d0, d1) -> (0, 0)>
#map1 = affine_map<(d0, d1) -> (0)>
module attributes {stable_mosaic.version = 14 : i64} {
  func.func @k2(%arg0: i32, %arg1: i32, %arg2: memref<10000x128xf32, #tpu.memory_space<hbm>>, %arg3: memref<10000x16xf32, #tpu.memory_space<hbm>>, %arg4: memref<323584xi32, #tpu.memory_space<hbm>>, %arg5: memref<323584xi32, #tpu.memory_space<hbm>>, %arg6: memref<323584x128xf32, #tpu.memory_space<hbm>>, %arg7: memref<323584x128xf32, #tpu.memory_space<hbm>>, %arg8: memref<323584x16xf32, #tpu.memory_space<hbm>>, %arg9: memref<323584x16xf32, #tpu.memory_space<hbm>>, %arg10: memref<128xi32, #tpu.memory_space<vmem>>, %arg11: memref<128xi32, #tpu.memory_space<vmem>>, %arg12: memref<128x128xf32, #tpu.memory_space<vmem>>, %arg13: memref<128x128xf32, #tpu.memory_space<vmem>>, %arg14: memref<128x16xf32, #tpu.memory_space<vmem>>, %arg15: memref<128x16xf32, #tpu.memory_space<vmem>>, %arg16: memref<!tpu.dma_semaphore, #tpu.memory_space<semaphore_mem>>) attributes {dimension_semantics = [#tpu.dimension_semantics<core_parallel>, #tpu.dimension_semantics<subcore_parallel>], iteration_bounds = array<i64: 2, 16>, scalar_prefetch = 0 : i64, scratch_operands = 7 : i64, tpu.core_type = #tpu.core_type<sc_vector_subcore>, window_params = [{transform_indices = #map}, {transform_indices = #map}, {transform_indices = #map1}, {transform_indices = #map1}, {transform_indices = #map}, {transform_indices = #map}, {transform_indices = #map}, {transform_indices = #map}]} {
    %mul3A = arith.constant 2 : i32
    %mul3A_0 = arith.muli %arg1, %mul3A : i32
    %add3A = arith.addi %mul3A_0, %arg0 : i32
    %scan3A = arith.constant 0 : i32
    %scan3A_1 = arith.constant 79 : i32
    %scan3A_2 = arith.addi %scan3A, %scan3A_1 : i32
    %scan3A_3 = arith.constant 1 : i32
    scf.for %scan3A_5 = %scan3A to %scan3A_2 step %scan3A_3  : i32 {
      %mul3A_6 = arith.constant 1 : i32
      %mul3A_7 = arith.muli %scan3A_5, %mul3A_6 : i32
      %add3A_8 = arith.constant 0 : i32
      %add3A_9 = arith.addi %add3A_8, %mul3A_7 : i32
      %mul3A_10 = arith.constant 10112 : i32
      %mul3A_11 = arith.muli %add3A, %mul3A_10 : i32
      %mul3A_12 = arith.constant 128 : i32
      %mul3A_13 = arith.muli %add3A_9, %mul3A_12 : i32
      %add3A_14 = arith.addi %mul3A_11, %mul3A_13 : i32
      "tpu.region"() ({
        %run_scoped3A = tpu.sem_alloc : memref<!tpu.dma_semaphore, #tpu.memory_space<semaphore_mem>>
        %dma_start3A_37 = tpu.memref_slice %arg4[%add3A_14] : memref<323584xi32, #tpu.memory_space<hbm>> -> memref<128xi32, #tpu.memory_space<hbm>>
        %dma_start3A_38 = tpu.memref_slice %arg4[%add3A_14] : memref<323584xi32, #tpu.memory_space<hbm>> -> memref<128xi32, #tpu.memory_space<hbm>>
        tpu.enqueue_dma source(%dma_start3A_38 : memref<128xi32, #tpu.memory_space<hbm>>) target(%arg10 : memref<128xi32, #tpu.memory_space<vmem>>) target_semaphore(%run_scoped3A : memref<!tpu.dma_semaphore, #tpu.memory_space<semaphore_mem>>)
        %dma_wait3A_39 = tpu.memref_slice %arg4[%add3A_14] : memref<323584xi32, #tpu.memory_space<hbm>> -> memref<128xi32, #tpu.memory_space<hbm>>
        %dma_wait3A_40 = tpu.memref_slice %arg4[%add3A_14] : memref<323584xi32, #tpu.memory_space<hbm>> -> memref<128xi32, #tpu.memory_space<hbm>>
        tpu.wait_dma2 semaphore(%run_scoped3A : memref<!tpu.dma_semaphore, #tpu.memory_space<semaphore_mem>>) src(%dma_wait3A_40 : memref<128xi32, #tpu.memory_space<hbm>>) dst(%arg10 : memref<128xi32, #tpu.memory_space<vmem>>)
        tpu.yield
      }) : () -> ()
      "tpu.region"() ({
        %run_scoped3A = tpu.sem_alloc : memref<!tpu.dma_semaphore, #tpu.memory_space<semaphore_mem>>
        %dma_start3A_37 = tpu.memref_slice %arg5[%add3A_14] : memref<323584xi32, #tpu.memory_space<hbm>> -> memref<128xi32, #tpu.memory_space<hbm>>
        %dma_start3A_38 = tpu.memref_slice %arg5[%add3A_14] : memref<323584xi32, #tpu.memory_space<hbm>> -> memref<128xi32, #tpu.memory_space<hbm>>
        tpu.enqueue_dma source(%dma_start3A_38 : memref<128xi32, #tpu.memory_space<hbm>>) target(%arg11 : memref<128xi32, #tpu.memory_space<vmem>>) target_semaphore(%run_scoped3A : memref<!tpu.dma_semaphore, #tpu.memory_space<semaphore_mem>>)
        %dma_wait3A_39 = tpu.memref_slice %arg5[%add3A_14] : memref<323584xi32, #tpu.memory_space<hbm>> -> memref<128xi32, #tpu.memory_space<hbm>>
        %dma_wait3A_40 = tpu.memref_slice %arg5[%add3A_14] : memref<323584xi32, #tpu.memory_space<hbm>> -> memref<128xi32, #tpu.memory_space<hbm>>
        tpu.wait_dma2 semaphore(%run_scoped3A : memref<!tpu.dma_semaphore, #tpu.memory_space<semaphore_mem>>) src(%dma_wait3A_40 : memref<128xi32, #tpu.memory_space<hbm>>) dst(%arg11 : memref<128xi32, #tpu.memory_space<vmem>>)
        tpu.yield
      }) : () -> ()
      %dma_start3A = arith.constant 0 : i32
      %dma_start3A_15 = arith.constant 0 : i32
      %dma_start3A_16 = tpu.memref_slice %arg2[%dma_start3A, %dma_start3A_15] : memref<10000x128xf32, #tpu.memory_space<hbm>> -> memref<10000x128xf32, #tpu.memory_space<hbm>>
      tpu.enqueue_indirect_dma source(%dma_start3A_16 : memref<10000x128xf32, #tpu.memory_space<hbm>>) target(%arg12 : memref<128x128xf32, #tpu.memory_space<vmem>>) offsets(%arg10 : memref<128xi32, #tpu.memory_space<vmem>>) semaphore(%arg16 : memref<!tpu.dma_semaphore, #tpu.memory_space<semaphore_mem>>)
      %dma_start3A_17 = arith.constant 0 : i32
      %dma_start3A_18 = arith.constant 0 : i32
      %dma_start3A_19 = tpu.memref_slice %arg2[%dma_start3A_17, %dma_start3A_18] : memref<10000x128xf32, #tpu.memory_space<hbm>> -> memref<10000x128xf32, #tpu.memory_space<hbm>>
      tpu.enqueue_indirect_dma source(%dma_start3A_19 : memref<10000x128xf32, #tpu.memory_space<hbm>>) target(%arg13 : memref<128x128xf32, #tpu.memory_space<vmem>>) offsets(%arg11 : memref<128xi32, #tpu.memory_space<vmem>>) semaphore(%arg16 : memref<!tpu.dma_semaphore, #tpu.memory_space<semaphore_mem>>)
      %dma_start3A_20 = arith.constant 0 : i32
      %dma_start3A_21 = arith.constant 0 : i32
      %dma_start3A_22 = tpu.memref_slice %arg3[%dma_start3A_20, %dma_start3A_21] : memref<10000x16xf32, #tpu.memory_space<hbm>> -> memref<10000x16xf32, #tpu.memory_space<hbm>>
      tpu.enqueue_indirect_dma source(%dma_start3A_22 : memref<10000x16xf32, #tpu.memory_space<hbm>>) target(%arg14 : memref<128x16xf32, #tpu.memory_space<vmem>>) offsets(%arg10 : memref<128xi32, #tpu.memory_space<vmem>>) semaphore(%arg16 : memref<!tpu.dma_semaphore, #tpu.memory_space<semaphore_mem>>)
      %dma_start3A_23 = arith.constant 0 : i32
      %dma_start3A_24 = arith.constant 0 : i32
      %dma_start3A_25 = tpu.memref_slice %arg3[%dma_start3A_23, %dma_start3A_24] : memref<10000x16xf32, #tpu.memory_space<hbm>> -> memref<10000x16xf32, #tpu.memory_space<hbm>>
      tpu.enqueue_indirect_dma source(%dma_start3A_25 : memref<10000x16xf32, #tpu.memory_space<hbm>>) target(%arg15 : memref<128x16xf32, #tpu.memory_space<vmem>>) offsets(%arg11 : memref<128xi32, #tpu.memory_space<vmem>>) semaphore(%arg16 : memref<!tpu.dma_semaphore, #tpu.memory_space<semaphore_mem>>)
      %dma_wait3A = arith.constant 0 : i32
      %dma_wait3A_26 = arith.constant 0 : i32
      %dma_wait3A_27 = tpu.memref_slice %arg2[%dma_wait3A, %dma_wait3A_26] : memref<10000x128xf32, #tpu.memory_space<hbm>> -> memref<10000x128xf32, #tpu.memory_space<hbm>>
      tpu.wait_indirect_dma semaphore(%arg16 : memref<!tpu.dma_semaphore, #tpu.memory_space<semaphore_mem>>) src(%dma_wait3A_27 : memref<10000x128xf32, #tpu.memory_space<hbm>>) dst(%arg12 : memref<128x128xf32, #tpu.memory_space<vmem>>)
      %dma_wait3A_28 = arith.constant 0 : i32
      %dma_wait3A_29 = arith.constant 0 : i32
      %dma_wait3A_30 = tpu.memref_slice %arg2[%dma_wait3A_28, %dma_wait3A_29] : memref<10000x128xf32, #tpu.memory_space<hbm>> -> memref<10000x128xf32, #tpu.memory_space<hbm>>
      tpu.wait_indirect_dma semaphore(%arg16 : memref<!tpu.dma_semaphore, #tpu.memory_space<semaphore_mem>>) src(%dma_wait3A_30 : memref<10000x128xf32, #tpu.memory_space<hbm>>) dst(%arg13 : memref<128x128xf32, #tpu.memory_space<vmem>>)
      %dma_wait3A_31 = arith.constant 0 : i32
      %dma_wait3A_32 = arith.constant 0 : i32
      %dma_wait3A_33 = tpu.memref_slice %arg3[%dma_wait3A_31, %dma_wait3A_32] : memref<10000x16xf32, #tpu.memory_space<hbm>> -> memref<10000x16xf32, #tpu.memory_space<hbm>>
      tpu.wait_indirect_dma semaphore(%arg16 : memref<!tpu.dma_semaphore, #tpu.memory_space<semaphore_mem>>) src(%dma_wait3A_33 : memref<10000x16xf32, #tpu.memory_space<hbm>>) dst(%arg14 : memref<128x16xf32, #tpu.memory_space<vmem>>)
      %dma_wait3A_34 = arith.constant 0 : i32
      %dma_wait3A_35 = arith.constant 0 : i32
      %dma_wait3A_36 = tpu.memref_slice %arg3[%dma_wait3A_34, %dma_wait3A_35] : memref<10000x16xf32, #tpu.memory_space<hbm>> -> memref<10000x16xf32, #tpu.memory_space<hbm>>
      tpu.wait_indirect_dma semaphore(%arg16 : memref<!tpu.dma_semaphore, #tpu.memory_space<semaphore_mem>>) src(%dma_wait3A_36 : memref<10000x16xf32, #tpu.memory_space<hbm>>) dst(%arg15 : memref<128x16xf32, #tpu.memory_space<vmem>>)
      "tpu.region"() ({
        %run_scoped3A = tpu.sem_alloc : memref<!tpu.dma_semaphore, #tpu.memory_space<semaphore_mem>>
        %dma_start3A_37 = arith.constant 0 : i32
        %dma_start3A_38 = tpu.memref_slice %arg6[%add3A_14, %dma_start3A_37] : memref<323584x128xf32, #tpu.memory_space<hbm>> -> memref<128x128xf32, #tpu.memory_space<hbm>>
        %dma_start3A_39 = arith.constant 0 : i32
        %dma_start3A_40 = tpu.memref_slice %arg6[%add3A_14, %dma_start3A_39] : memref<323584x128xf32, #tpu.memory_space<hbm>> -> memref<128x128xf32, #tpu.memory_space<hbm>>
        tpu.enqueue_dma source(%arg12 : memref<128x128xf32, #tpu.memory_space<vmem>>) target(%dma_start3A_40 : memref<128x128xf32, #tpu.memory_space<hbm>>) target_semaphore(%run_scoped3A : memref<!tpu.dma_semaphore, #tpu.memory_space<semaphore_mem>>)
        %dma_wait3A_41 = arith.constant 0 : i32
        %dma_wait3A_42 = tpu.memref_slice %arg6[%add3A_14, %dma_wait3A_41] : memref<323584x128xf32, #tpu.memory_space<hbm>> -> memref<128x128xf32, #tpu.memory_space<hbm>>
        %dma_wait3A_43 = arith.constant 0 : i32
        %dma_wait3A_44 = tpu.memref_slice %arg6[%add3A_14, %dma_wait3A_43] : memref<323584x128xf32, #tpu.memory_space<hbm>> -> memref<128x128xf32, #tpu.memory_space<hbm>>
        tpu.wait_dma2 semaphore(%run_scoped3A : memref<!tpu.dma_semaphore, #tpu.memory_space<semaphore_mem>>) src(%arg12 : memref<128x128xf32, #tpu.memory_space<vmem>>) dst(%dma_wait3A_44 : memref<128x128xf32, #tpu.memory_space<hbm>>)
        tpu.yield
      }) : () -> ()
      "tpu.region"() ({
        %run_scoped3A = tpu.sem_alloc : memref<!tpu.dma_semaphore, #tpu.memory_space<semaphore_mem>>
        %dma_start3A_37 = arith.constant 0 : i32
        %dma_start3A_38 = tpu.memref_slice %arg7[%add3A_14, %dma_start3A_37] : memref<323584x128xf32, #tpu.memory_space<hbm>> -> memref<128x128xf32, #tpu.memory_space<hbm>>
        %dma_start3A_39 = arith.constant 0 : i32
        %dma_start3A_40 = tpu.memref_slice %arg7[%add3A_14, %dma_start3A_39] : memref<323584x128xf32, #tpu.memory_space<hbm>> -> memref<128x128xf32, #tpu.memory_space<hbm>>
        tpu.enqueue_dma source(%arg13 : memref<128x128xf32, #tpu.memory_space<vmem>>) target(%dma_start3A_40 : memref<128x128xf32, #tpu.memory_space<hbm>>) target_semaphore(%run_scoped3A : memref<!tpu.dma_semaphore, #tpu.memory_space<semaphore_mem>>)
        %dma_wait3A_41 = arith.constant 0 : i32
        %dma_wait3A_42 = tpu.memref_slice %arg7[%add3A_14, %dma_wait3A_41] : memref<323584x128xf32, #tpu.memory_space<hbm>> -> memref<128x128xf32, #tpu.memory_space<hbm>>
        %dma_wait3A_43 = arith.constant 0 : i32
        %dma_wait3A_44 = tpu.memref_slice %arg7[%add3A_14, %dma_wait3A_43] : memref<323584x128xf32, #tpu.memory_space<hbm>> -> memref<128x128xf32, #tpu.memory_space<hbm>>
        tpu.wait_dma2 semaphore(%run_scoped3A : memref<!tpu.dma_semaphore, #tpu.memory_space<semaphore_mem>>) src(%arg13 : memref<128x128xf32, #tpu.memory_space<vmem>>) dst(%dma_wait3A_44 : memref<128x128xf32, #tpu.memory_space<hbm>>)
        tpu.yield
      }) : () -> ()
      "tpu.region"() ({
        %run_scoped3A = tpu.sem_alloc : memref<!tpu.dma_semaphore, #tpu.memory_space<semaphore_mem>>
        %dma_start3A_37 = arith.constant 0 : i32
        %dma_start3A_38 = tpu.memref_slice %arg8[%add3A_14, %dma_start3A_37] : memref<323584x16xf32, #tpu.memory_space<hbm>> -> memref<128x16xf32, #tpu.memory_space<hbm>>
        %dma_start3A_39 = arith.constant 0 : i32
        %dma_start3A_40 = tpu.memref_slice %arg8[%add3A_14, %dma_start3A_39] : memref<323584x16xf32, #tpu.memory_space<hbm>> -> memref<128x16xf32, #tpu.memory_space<hbm>>
        tpu.enqueue_dma source(%arg14 : memref<128x16xf32, #tpu.memory_space<vmem>>) target(%dma_start3A_40 : memref<128x16xf32, #tpu.memory_space<hbm>>) target_semaphore(%run_scoped3A : memref<!tpu.dma_semaphore, #tpu.memory_space<semaphore_mem>>)
        %dma_wait3A_41 = arith.constant 0 : i32
        %dma_wait3A_42 = tpu.memref_slice %arg8[%add3A_14, %dma_wait3A_41] : memref<323584x16xf32, #tpu.memory_space<hbm>> -> memref<128x16xf32, #tpu.memory_space<hbm>>
        %dma_wait3A_43 = arith.constant 0 : i32
        %dma_wait3A_44 = tpu.memref_slice %arg8[%add3A_14, %dma_wait3A_43] : memref<323584x16xf32, #tpu.memory_space<hbm>> -> memref<128x16xf32, #tpu.memory_space<hbm>>
        tpu.wait_dma2 semaphore(%run_scoped3A : memref<!tpu.dma_semaphore, #tpu.memory_space<semaphore_mem>>) src(%arg14 : memref<128x16xf32, #tpu.memory_space<vmem>>) dst(%dma_wait3A_44 : memref<128x16xf32, #tpu.memory_space<hbm>>)
        tpu.yield
      }) : () -> ()
      "tpu.region"() ({
        %run_scoped3A = tpu.sem_alloc : memref<!tpu.dma_semaphore, #tpu.memory_space<semaphore_mem>>
        %dma_start3A_37 = arith.constant 0 : i32
        %dma_start3A_38 = tpu.memref_slice %arg9[%add3A_14, %dma_start3A_37] : memref<323584x16xf32, #tpu.memory_space<hbm>> -> memref<128x16xf32, #tpu.memory_space<hbm>>
        %dma_start3A_39 = arith.constant 0 : i32
        %dma_start3A_40 = tpu.memref_slice %arg9[%add3A_14, %dma_start3A_39] : memref<323584x16xf32, #tpu.memory_space<hbm>> -> memref<128x16xf32, #tpu.memory_space<hbm>>
        tpu.enqueue_dma source(%arg15 : memref<128x16xf32, #tpu.memory_space<vmem>>) target(%dma_start3A_40 : memref<128x16xf32, #tpu.memory_space<hbm>>) target_semaphore(%run_scoped3A : memref<!tpu.dma_semaphore, #tpu.memory_space<semaphore_mem>>)
        %dma_wait3A_41 = arith.constant 0 : i32
        %dma_wait3A_42 = tpu.memref_slice %arg9[%add3A_14, %dma_wait3A_41] : memref<323584x16xf32, #tpu.memory_space<hbm>> -> memref<128x16xf32, #tpu.memory_space<hbm>>
        %dma_wait3A_43 = arith.constant 0 : i32
        %dma_wait3A_44 = tpu.memref_slice %arg9[%add3A_14, %dma_wait3A_43] : memref<323584x16xf32, #tpu.memory_space<hbm>> -> memref<128x16xf32, #tpu.memory_space<hbm>>
        tpu.wait_dma2 semaphore(%run_scoped3A : memref<!tpu.dma_semaphore, #tpu.memory_space<semaphore_mem>>) src(%arg15 : memref<128x16xf32, #tpu.memory_space<vmem>>) dst(%dma_wait3A_44 : memref<128x16xf32, #tpu.memory_space<hbm>>)
        tpu.yield
      }) : () -> ()
    }
    %scan3A_4 = arith.constant 79 : i32
    return
  }
}

#map = affine_map<(d0, d1) -> (0, 0)>
#map1 = affine_map<(d0, d1) -> (0)>
module attributes {stable_mosaic.version = 14 : i64} {
  func.func @k4(%arg0: i32, %arg1: i32, %arg2: memref<323584x128xf32, #tpu.memory_space<hbm>>, %arg3: memref<323584x128xf32, #tpu.memory_space<hbm>>, %arg4: memref<323584x16xf32, #tpu.memory_space<hbm>>, %arg5: memref<323584xi32, #tpu.memory_space<hbm>>, %arg6: memref<640x128xf32, #tpu.memory_space<hbm>>, %arg7: memref<640x16xf32, #tpu.memory_space<hbm>>, %arg8: memref<10240x128xf32, #tpu.memory_space<hbm>>, %arg9: memref<10240x128xf32, #tpu.memory_space<hbm>>, %arg10: memref<10240x16xf32, #tpu.memory_space<hbm>>, %arg11: memref<10240x128xf32, #tpu.memory_space<vmem_shared>>, %arg12: memref<10240x16xf32, #tpu.memory_space<vmem_shared>>, %arg13: memref<128xi32, #tpu.memory_space<vmem>>, %arg14: memref<128x128xf32, #tpu.memory_space<vmem>>, %arg15: memref<128x16xf32, #tpu.memory_space<vmem>>) attributes {dimension_semantics = [#tpu.dimension_semantics<core_parallel>, #tpu.dimension_semantics<subcore_parallel>], iteration_bounds = array<i64: 2, 16>, scalar_prefetch = 0 : i64, scratch_operands = 5 : i64, tpu.core_type = #tpu.core_type<sc_vector_subcore>, window_params = [{transform_indices = #map}, {transform_indices = #map}, {transform_indices = #map}, {transform_indices = #map1}, {transform_indices = #map}, {transform_indices = #map}, {transform_indices = #map}, {transform_indices = #map}, {transform_indices = #map}]} {
    %mul3A = arith.constant 640 : i32
    %mul3A_0 = arith.muli %arg1, %mul3A : i32
    "tpu.region"() ({
      %run_scoped3A = tpu.sem_alloc : memref<!tpu.dma_semaphore, #tpu.memory_space<semaphore_mem>>
      %dma_start3A = arith.constant 0 : i32
      %dma_start3A_19 = tpu.memref_slice %arg11[%mul3A_0, %dma_start3A] : memref<10240x128xf32, #tpu.memory_space<vmem_shared>> -> memref<640x128xf32, #tpu.memory_space<vmem_shared>>
      tpu.enqueue_dma source(%arg6 : memref<640x128xf32, #tpu.memory_space<hbm>>) target(%dma_start3A_19 : memref<640x128xf32, #tpu.memory_space<vmem_shared>>) target_semaphore(%run_scoped3A : memref<!tpu.dma_semaphore, #tpu.memory_space<semaphore_mem>>)
      %dma_wait3A = arith.constant 0 : i32
      %dma_wait3A_20 = tpu.memref_slice %arg11[%mul3A_0, %dma_wait3A] : memref<10240x128xf32, #tpu.memory_space<vmem_shared>> -> memref<640x128xf32, #tpu.memory_space<vmem_shared>>
      tpu.wait_dma2 semaphore(%run_scoped3A : memref<!tpu.dma_semaphore, #tpu.memory_space<semaphore_mem>>) src(%arg6 : memref<640x128xf32, #tpu.memory_space<hbm>>) dst(%dma_wait3A_20 : memref<640x128xf32, #tpu.memory_space<vmem_shared>>)
      tpu.yield
    }) : () -> ()
    "tpu.region"() ({
      %run_scoped3A = tpu.sem_alloc : memref<!tpu.dma_semaphore, #tpu.memory_space<semaphore_mem>>
      %dma_start3A = arith.constant 0 : i32
      %dma_start3A_19 = tpu.memref_slice %arg12[%mul3A_0, %dma_start3A] : memref<10240x16xf32, #tpu.memory_space<vmem_shared>> -> memref<640x16xf32, #tpu.memory_space<vmem_shared>>
      tpu.enqueue_dma source(%arg7 : memref<640x16xf32, #tpu.memory_space<hbm>>) target(%dma_start3A_19 : memref<640x16xf32, #tpu.memory_space<vmem_shared>>) target_semaphore(%run_scoped3A : memref<!tpu.dma_semaphore, #tpu.memory_space<semaphore_mem>>)
      %dma_wait3A = arith.constant 0 : i32
      %dma_wait3A_20 = tpu.memref_slice %arg12[%mul3A_0, %dma_wait3A] : memref<10240x16xf32, #tpu.memory_space<vmem_shared>> -> memref<640x16xf32, #tpu.memory_space<vmem_shared>>
      tpu.wait_dma2 semaphore(%run_scoped3A : memref<!tpu.dma_semaphore, #tpu.memory_space<semaphore_mem>>) src(%arg7 : memref<640x16xf32, #tpu.memory_space<hbm>>) dst(%dma_wait3A_20 : memref<640x16xf32, #tpu.memory_space<vmem_shared>>)
      tpu.yield
    }) : () -> ()
    %barrier3A = arith.constant 0 : index
    tpu.barrier barrier_id(%barrier3A)
    %eq3A = arith.constant 0 : i32
    %eq3A_1 = arith.cmpi eq, %arg0, %eq3A : i32
    %convert_element_type3A = arith.extui %eq3A_1 : i1 to i32
    %cond3A = arith.constant 0 : i32
    %cond3A_2 = arith.cmpi ne, %convert_element_type3A, %cond3A : i32
    scf.if %cond3A_2 {
      %scan3A = arith.constant 0 : i32
      %scan3A_19 = arith.constant 158 : i32
      %scan3A_20 = arith.addi %scan3A, %scan3A_19 : i32
      %scan3A_21 = arith.constant 1 : i32
      scf.for %scan3A_23 = %scan3A to %scan3A_20 step %scan3A_21  : i32 {
        %mul3A_24 = arith.constant 1 : i32
        %mul3A_25 = arith.muli %scan3A_23, %mul3A_24 : i32
        %add3A = arith.constant 0 : i32
        %add3A_26 = arith.addi %add3A, %mul3A_25 : i32
        %mul3A_27 = arith.constant 20224 : i32
        %mul3A_28 = arith.muli %arg1, %mul3A_27 : i32
        %mul3A_29 = arith.constant 128 : i32
        %mul3A_30 = arith.muli %add3A_26, %mul3A_29 : i32
        %add3A_31 = arith.addi %mul3A_28, %mul3A_30 : i32
        "tpu.region"() ({
          %run_scoped3A = tpu.sem_alloc : memref<!tpu.dma_semaphore, #tpu.memory_space<semaphore_mem>>
          %dma_start3A = tpu.memref_slice %arg5[%add3A_31] : memref<323584xi32, #tpu.memory_space<hbm>> -> memref<128xi32, #tpu.memory_space<hbm>>
          %dma_start3A_32 = tpu.memref_slice %arg5[%add3A_31] : memref<323584xi32, #tpu.memory_space<hbm>> -> memref<128xi32, #tpu.memory_space<hbm>>
          tpu.enqueue_dma source(%dma_start3A_32 : memref<128xi32, #tpu.memory_space<hbm>>) target(%arg13 : memref<128xi32, #tpu.memory_space<vmem>>) target_semaphore(%run_scoped3A : memref<!tpu.dma_semaphore, #tpu.memory_space<semaphore_mem>>)
          %dma_wait3A = tpu.memref_slice %arg5[%add3A_31] : memref<323584xi32, #tpu.memory_space<hbm>> -> memref<128xi32, #tpu.memory_space<hbm>>
          %dma_wait3A_33 = tpu.memref_slice %arg5[%add3A_31] : memref<323584xi32, #tpu.memory_space<hbm>> -> memref<128xi32, #tpu.memory_space<hbm>>
          tpu.wait_dma2 semaphore(%run_scoped3A : memref<!tpu.dma_semaphore, #tpu.memory_space<semaphore_mem>>) src(%dma_wait3A_33 : memref<128xi32, #tpu.memory_space<hbm>>) dst(%arg13 : memref<128xi32, #tpu.memory_space<vmem>>)
          tpu.yield
        }) : () -> ()
        "tpu.region"() ({
          %run_scoped3A = tpu.sem_alloc : memref<!tpu.dma_semaphore, #tpu.memory_space<semaphore_mem>>
          %dma_start3A = arith.constant 0 : i32
          %dma_start3A_32 = tpu.memref_slice %arg2[%add3A_31, %dma_start3A] : memref<323584x128xf32, #tpu.memory_space<hbm>> -> memref<128x128xf32, #tpu.memory_space<hbm>>
          %dma_start3A_33 = arith.constant 0 : i32
          %dma_start3A_34 = tpu.memref_slice %arg2[%add3A_31, %dma_start3A_33] : memref<323584x128xf32, #tpu.memory_space<hbm>> -> memref<128x128xf32, #tpu.memory_space<hbm>>
          tpu.enqueue_dma source(%dma_start3A_34 : memref<128x128xf32, #tpu.memory_space<hbm>>) target(%arg14 : memref<128x128xf32, #tpu.memory_space<vmem>>) target_semaphore(%run_scoped3A : memref<!tpu.dma_semaphore, #tpu.memory_space<semaphore_mem>>)
          %dma_wait3A = arith.constant 0 : i32
          %dma_wait3A_35 = tpu.memref_slice %arg2[%add3A_31, %dma_wait3A] : memref<323584x128xf32, #tpu.memory_space<hbm>> -> memref<128x128xf32, #tpu.memory_space<hbm>>
          %dma_wait3A_36 = arith.constant 0 : i32
          %dma_wait3A_37 = tpu.memref_slice %arg2[%add3A_31, %dma_wait3A_36] : memref<323584x128xf32, #tpu.memory_space<hbm>> -> memref<128x128xf32, #tpu.memory_space<hbm>>
          tpu.wait_dma2 semaphore(%run_scoped3A : memref<!tpu.dma_semaphore, #tpu.memory_space<semaphore_mem>>) src(%dma_wait3A_37 : memref<128x128xf32, #tpu.memory_space<hbm>>) dst(%arg14 : memref<128x128xf32, #tpu.memory_space<vmem>>)
          tpu.yield
        }) : () -> ()
        "tpu.region"() ({
          %run_scoped3A = tpu.sem_alloc : memref<!tpu.dma_semaphore, #tpu.memory_space<semaphore_mem>>
          %dma_start3A = arith.constant 0 : i32
          %dma_start3A_32 = arith.constant 0 : i32
          %dma_start3A_33 = tpu.memref_slice %arg11[%dma_start3A, %dma_start3A_32] : memref<10240x128xf32, #tpu.memory_space<vmem_shared>> -> memref<10240x128xf32, #tpu.memory_space<vmem_shared>>
          tpu.enqueue_indirect_dma source(%arg14 : memref<128x128xf32, #tpu.memory_space<vmem>>) target(%dma_start3A_33 : memref<10240x128xf32, #tpu.memory_space<vmem_shared>>) offsets(%arg13 : memref<128xi32, #tpu.memory_space<vmem>>) semaphore(%run_scoped3A : memref<!tpu.dma_semaphore, #tpu.memory_space<semaphore_mem>>) {add = true}
          %dma_wait3A = arith.constant 0 : i32
          %dma_wait3A_34 = arith.constant 0 : i32
          %dma_wait3A_35 = tpu.memref_slice %arg11[%dma_wait3A, %dma_wait3A_34] : memref<10240x128xf32, #tpu.memory_space<vmem_shared>> -> memref<10240x128xf32, #tpu.memory_space<vmem_shared>>
          tpu.wait_indirect_dma semaphore(%run_scoped3A : memref<!tpu.dma_semaphore, #tpu.memory_space<semaphore_mem>>) src(%arg14 : memref<128x128xf32, #tpu.memory_space<vmem>>) dst(%dma_wait3A_35 : memref<10240x128xf32, #tpu.memory_space<vmem_shared>>)
          tpu.yield
        }) : () -> ()
      }
      %scan3A_22 = arith.constant 158 : i32
    } else {
    }
    %eq3A_3 = arith.constant 1 : i32
    %eq3A_4 = arith.cmpi eq, %arg0, %eq3A_3 : i32
    %convert_element_type3A_5 = arith.extui %eq3A_4 : i1 to i32
    %cond3A_6 = arith.constant 0 : i32
    %cond3A_7 = arith.cmpi ne, %convert_element_type3A_5, %cond3A_6 : i32
    scf.if %cond3A_7 {
      %scan3A = arith.constant 0 : i32
      %scan3A_19 = arith.constant 158 : i32
      %scan3A_20 = arith.addi %scan3A, %scan3A_19 : i32
      %scan3A_21 = arith.constant 1 : i32
      scf.for %scan3A_23 = %scan3A to %scan3A_20 step %scan3A_21  : i32 {
        %mul3A_24 = arith.constant 1 : i32
        %mul3A_25 = arith.muli %scan3A_23, %mul3A_24 : i32
        %add3A = arith.constant 0 : i32
        %add3A_26 = arith.addi %add3A, %mul3A_25 : i32
        %mul3A_27 = arith.constant 20224 : i32
        %mul3A_28 = arith.muli %arg1, %mul3A_27 : i32
        %mul3A_29 = arith.constant 128 : i32
        %mul3A_30 = arith.muli %add3A_26, %mul3A_29 : i32
        %add3A_31 = arith.addi %mul3A_28, %mul3A_30 : i32
        "tpu.region"() ({
          %run_scoped3A = tpu.sem_alloc : memref<!tpu.dma_semaphore, #tpu.memory_space<semaphore_mem>>
          %dma_start3A = tpu.memref_slice %arg5[%add3A_31] : memref<323584xi32, #tpu.memory_space<hbm>> -> memref<128xi32, #tpu.memory_space<hbm>>
          %dma_start3A_32 = tpu.memref_slice %arg5[%add3A_31] : memref<323584xi32, #tpu.memory_space<hbm>> -> memref<128xi32, #tpu.memory_space<hbm>>
          tpu.enqueue_dma source(%dma_start3A_32 : memref<128xi32, #tpu.memory_space<hbm>>) target(%arg13 : memref<128xi32, #tpu.memory_space<vmem>>) target_semaphore(%run_scoped3A : memref<!tpu.dma_semaphore, #tpu.memory_space<semaphore_mem>>)
          %dma_wait3A = tpu.memref_slice %arg5[%add3A_31] : memref<323584xi32, #tpu.memory_space<hbm>> -> memref<128xi32, #tpu.memory_space<hbm>>
          %dma_wait3A_33 = tpu.memref_slice %arg5[%add3A_31] : memref<323584xi32, #tpu.memory_space<hbm>> -> memref<128xi32, #tpu.memory_space<hbm>>
          tpu.wait_dma2 semaphore(%run_scoped3A : memref<!tpu.dma_semaphore, #tpu.memory_space<semaphore_mem>>) src(%dma_wait3A_33 : memref<128xi32, #tpu.memory_space<hbm>>) dst(%arg13 : memref<128xi32, #tpu.memory_space<vmem>>)
          tpu.yield
        }) : () -> ()
        "tpu.region"() ({
          %run_scoped3A = tpu.sem_alloc : memref<!tpu.dma_semaphore, #tpu.memory_space<semaphore_mem>>
          %dma_start3A = arith.constant 0 : i32
          %dma_start3A_32 = tpu.memref_slice %arg3[%add3A_31, %dma_start3A] : memref<323584x128xf32, #tpu.memory_space<hbm>> -> memref<128x128xf32, #tpu.memory_space<hbm>>
          %dma_start3A_33 = arith.constant 0 : i32
          %dma_start3A_34 = tpu.memref_slice %arg3[%add3A_31, %dma_start3A_33] : memref<323584x128xf32, #tpu.memory_space<hbm>> -> memref<128x128xf32, #tpu.memory_space<hbm>>
          tpu.enqueue_dma source(%dma_start3A_34 : memref<128x128xf32, #tpu.memory_space<hbm>>) target(%arg14 : memref<128x128xf32, #tpu.memory_space<vmem>>) target_semaphore(%run_scoped3A : memref<!tpu.dma_semaphore, #tpu.memory_space<semaphore_mem>>)
          %dma_wait3A = arith.constant 0 : i32
          %dma_wait3A_35 = tpu.memref_slice %arg3[%add3A_31, %dma_wait3A] : memref<323584x128xf32, #tpu.memory_space<hbm>> -> memref<128x128xf32, #tpu.memory_space<hbm>>
          %dma_wait3A_36 = arith.constant 0 : i32
          %dma_wait3A_37 = tpu.memref_slice %arg3[%add3A_31, %dma_wait3A_36] : memref<323584x128xf32, #tpu.memory_space<hbm>> -> memref<128x128xf32, #tpu.memory_space<hbm>>
          tpu.wait_dma2 semaphore(%run_scoped3A : memref<!tpu.dma_semaphore, #tpu.memory_space<semaphore_mem>>) src(%dma_wait3A_37 : memref<128x128xf32, #tpu.memory_space<hbm>>) dst(%arg14 : memref<128x128xf32, #tpu.memory_space<vmem>>)
          tpu.yield
        }) : () -> ()
        "tpu.region"() ({
          %run_scoped3A = tpu.sem_alloc : memref<!tpu.dma_semaphore, #tpu.memory_space<semaphore_mem>>
          %dma_start3A = arith.constant 0 : i32
          %dma_start3A_32 = tpu.memref_slice %arg4[%add3A_31, %dma_start3A] : memref<323584x16xf32, #tpu.memory_space<hbm>> -> memref<128x16xf32, #tpu.memory_space<hbm>>
          %dma_start3A_33 = arith.constant 0 : i32
          %dma_start3A_34 = tpu.memref_slice %arg4[%add3A_31, %dma_start3A_33] : memref<323584x16xf32, #tpu.memory_space<hbm>> -> memref<128x16xf32, #tpu.memory_space<hbm>>
          tpu.enqueue_dma source(%dma_start3A_34 : memref<128x16xf32, #tpu.memory_space<hbm>>) target(%arg15 : memref<128x16xf32, #tpu.memory_space<vmem>>) target_semaphore(%run_scoped3A : memref<!tpu.dma_semaphore, #tpu.memory_space<semaphore_mem>>)
          %dma_wait3A = arith.constant 0 : i32
          %dma_wait3A_35 = tpu.memref_slice %arg4[%add3A_31, %dma_wait3A] : memref<323584x16xf32, #tpu.memory_space<hbm>> -> memref<128x16xf32, #tpu.memory_space<hbm>>
          %dma_wait3A_36 = arith.constant 0 : i32
          %dma_wait3A_37 = tpu.memref_slice %arg4[%add3A_31, %dma_wait3A_36] : memref<323584x16xf32, #tpu.memory_space<hbm>> -> memref<128x16xf32, #tpu.memory_space<hbm>>
          tpu.wait_dma2 semaphore(%run_scoped3A : memref<!tpu.dma_semaphore, #tpu.memory_space<semaphore_mem>>) src(%dma_wait3A_37 : memref<128x16xf32, #tpu.memory_space<hbm>>) dst(%arg15 : memref<128x16xf32, #tpu.memory_space<vmem>>)
          tpu.yield
        }) : () -> ()
        "tpu.region"() ({
          %run_scoped3A = tpu.sem_alloc : memref<!tpu.dma_semaphore, #tpu.memory_space<semaphore_mem>>
          %dma_start3A = arith.constant 0 : i32
          %dma_start3A_32 = arith.constant 0 : i32
          %dma_start3A_33 = tpu.memref_slice %arg11[%dma_start3A, %dma_start3A_32] : memref<10240x128xf32, #tpu.memory_space<vmem_shared>> -> memref<10240x128xf32, #tpu.memory_space<vmem_shared>>
          tpu.enqueue_indirect_dma source(%arg14 : memref<128x128xf32, #tpu.memory_space<vmem>>) target(%dma_start3A_33 : memref<10240x128xf32, #tpu.memory_space<vmem_shared>>) offsets(%arg13 : memref<128xi32, #tpu.memory_space<vmem>>) semaphore(%run_scoped3A : memref<!tpu.dma_semaphore, #tpu.memory_space<semaphore_mem>>) {add = true}
          %dma_wait3A = arith.constant 0 : i32
          %dma_wait3A_34 = arith.constant 0 : i32
          %dma_wait3A_35 = tpu.memref_slice %arg11[%dma_wait3A, %dma_wait3A_34] : memref<10240x128xf32, #tpu.memory_space<vmem_shared>> -> memref<10240x128xf32, #tpu.memory_space<vmem_shared>>
          tpu.wait_indirect_dma semaphore(%run_scoped3A : memref<!tpu.dma_semaphore, #tpu.memory_space<semaphore_mem>>) src(%arg14 : memref<128x128xf32, #tpu.memory_space<vmem>>) dst(%dma_wait3A_35 : memref<10240x128xf32, #tpu.memory_space<vmem_shared>>)
          tpu.yield
        }) : () -> ()
        "tpu.region"() ({
          %run_scoped3A = tpu.sem_alloc : memref<!tpu.dma_semaphore, #tpu.memory_space<semaphore_mem>>
          %dma_start3A = arith.constant 0 : i32
          %dma_start3A_32 = arith.constant 0 : i32
          %dma_start3A_33 = tpu.memref_slice %arg12[%dma_start3A, %dma_start3A_32] : memref<10240x16xf32, #tpu.memory_space<vmem_shared>> -> memref<10240x16xf32, #tpu.memory_space<vmem_shared>>
          tpu.enqueue_indirect_dma source(%arg15 : memref<128x16xf32, #tpu.memory_space<vmem>>) target(%dma_start3A_33 : memref<10240x16xf32, #tpu.memory_space<vmem_shared>>) offsets(%arg13 : memref<128xi32, #tpu.memory_space<vmem>>) semaphore(%run_scoped3A : memref<!tpu.dma_semaphore, #tpu.memory_space<semaphore_mem>>) {add = true}
          %dma_wait3A = arith.constant 0 : i32
          %dma_wait3A_34 = arith.constant 0 : i32
          %dma_wait3A_35 = tpu.memref_slice %arg12[%dma_wait3A, %dma_wait3A_34] : memref<10240x16xf32, #tpu.memory_space<vmem_shared>> -> memref<10240x16xf32, #tpu.memory_space<vmem_shared>>
          tpu.wait_indirect_dma semaphore(%run_scoped3A : memref<!tpu.dma_semaphore, #tpu.memory_space<semaphore_mem>>) src(%arg15 : memref<128x16xf32, #tpu.memory_space<vmem>>) dst(%dma_wait3A_35 : memref<10240x16xf32, #tpu.memory_space<vmem_shared>>)
          tpu.yield
        }) : () -> ()
      }
      %scan3A_22 = arith.constant 158 : i32
    } else {
    }
    %barrier3A_8 = arith.constant 0 : index
    tpu.barrier barrier_id(%barrier3A_8)
    %eq3A_9 = arith.constant 0 : i32
    %eq3A_10 = arith.cmpi eq, %arg0, %eq3A_9 : i32
    %convert_element_type3A_11 = arith.extui %eq3A_10 : i1 to i32
    %cond3A_12 = arith.constant 0 : i32
    %cond3A_13 = arith.cmpi ne, %convert_element_type3A_11, %cond3A_12 : i32
    scf.if %cond3A_13 {
      "tpu.region"() ({
        %run_scoped3A = tpu.sem_alloc : memref<!tpu.dma_semaphore, #tpu.memory_space<semaphore_mem>>
        %dma_start3A = arith.constant 0 : i32
        %dma_start3A_19 = tpu.memref_slice %arg8[%mul3A_0, %dma_start3A] : memref<10240x128xf32, #tpu.memory_space<hbm>> -> memref<640x128xf32, #tpu.memory_space<hbm>>
        %dma_start3A_20 = arith.constant 0 : i32
        %dma_start3A_21 = tpu.memref_slice %arg11[%mul3A_0, %dma_start3A_20] : memref<10240x128xf32, #tpu.memory_space<vmem_shared>> -> memref<640x128xf32, #tpu.memory_space<vmem_shared>>
        tpu.enqueue_dma source(%dma_start3A_21 : memref<640x128xf32, #tpu.memory_space<vmem_shared>>) target(%dma_start3A_19 : memref<640x128xf32, #tpu.memory_space<hbm>>) target_semaphore(%run_scoped3A : memref<!tpu.dma_semaphore, #tpu.memory_space<semaphore_mem>>)
        %dma_wait3A = arith.constant 0 : i32
        %dma_wait3A_22 = tpu.memref_slice %arg8[%mul3A_0, %dma_wait3A] : memref<10240x128xf32, #tpu.memory_space<hbm>> -> memref<640x128xf32, #tpu.memory_space<hbm>>
        %dma_wait3A_23 = arith.constant 0 : i32
        %dma_wait3A_24 = tpu.memref_slice %arg11[%mul3A_0, %dma_wait3A_23] : memref<10240x128xf32, #tpu.memory_space<vmem_shared>> -> memref<640x128xf32, #tpu.memory_space<vmem_shared>>
        tpu.wait_dma2 semaphore(%run_scoped3A : memref<!tpu.dma_semaphore, #tpu.memory_space<semaphore_mem>>) src(%dma_wait3A_24 : memref<640x128xf32, #tpu.memory_space<vmem_shared>>) dst(%dma_wait3A_22 : memref<640x128xf32, #tpu.memory_space<hbm>>)
        tpu.yield
      }) : () -> ()
    } else {
    }
    %eq3A_14 = arith.constant 1 : i32
    %eq3A_15 = arith.cmpi eq, %arg0, %eq3A_14 : i32
    %convert_element_type3A_16 = arith.extui %eq3A_15 : i1 to i32
    %cond3A_17 = arith.constant 0 : i32
    %cond3A_18 = arith.cmpi ne, %convert_element_type3A_16, %cond3A_17 : i32
    scf.if %cond3A_18 {
      "tpu.region"() ({
        %run_scoped3A = tpu.sem_alloc : memref<!tpu.dma_semaphore, #tpu.memory_space<semaphore_mem>>
        %dma_start3A = arith.constant 0 : i32
        %dma_start3A_19 = tpu.memref_slice %arg9[%mul3A_0, %dma_start3A] : memref<10240x128xf32, #tpu.memory_space<hbm>> -> memref<640x128xf32, #tpu.memory_space<hbm>>
        %dma_start3A_20 = arith.constant 0 : i32
        %dma_start3A_21 = tpu.memref_slice %arg11[%mul3A_0, %dma_start3A_20] : memref<10240x128xf32, #tpu.memory_space<vmem_shared>> -> memref<640x128xf32, #tpu.memory_space<vmem_shared>>
        tpu.enqueue_dma source(%dma_start3A_21 : memref<640x128xf32, #tpu.memory_space<vmem_shared>>) target(%dma_start3A_19 : memref<640x128xf32, #tpu.memory_space<hbm>>) target_semaphore(%run_scoped3A : memref<!tpu.dma_semaphore, #tpu.memory_space<semaphore_mem>>)
        %dma_wait3A = arith.constant 0 : i32
        %dma_wait3A_22 = tpu.memref_slice %arg9[%mul3A_0, %dma_wait3A] : memref<10240x128xf32, #tpu.memory_space<hbm>> -> memref<640x128xf32, #tpu.memory_space<hbm>>
        %dma_wait3A_23 = arith.constant 0 : i32
        %dma_wait3A_24 = tpu.memref_slice %arg11[%mul3A_0, %dma_wait3A_23] : memref<10240x128xf32, #tpu.memory_space<vmem_shared>> -> memref<640x128xf32, #tpu.memory_space<vmem_shared>>
        tpu.wait_dma2 semaphore(%run_scoped3A : memref<!tpu.dma_semaphore, #tpu.memory_space<semaphore_mem>>) src(%dma_wait3A_24 : memref<640x128xf32, #tpu.memory_space<vmem_shared>>) dst(%dma_wait3A_22 : memref<640x128xf32, #tpu.memory_space<hbm>>)
        tpu.yield
      }) : () -> ()
      "tpu.region"() ({
        %run_scoped3A = tpu.sem_alloc : memref<!tpu.dma_semaphore, #tpu.memory_space<semaphore_mem>>
        %dma_start3A = arith.constant 0 : i32
        %dma_start3A_19 = tpu.memref_slice %arg10[%mul3A_0, %dma_start3A] : memref<10240x16xf32, #tpu.memory_space<hbm>> -> memref<640x16xf32, #tpu.memory_space<hbm>>
        %dma_start3A_20 = arith.constant 0 : i32
        %dma_start3A_21 = tpu.memref_slice %arg12[%mul3A_0, %dma_start3A_20] : memref<10240x16xf32, #tpu.memory_space<vmem_shared>> -> memref<640x16xf32, #tpu.memory_space<vmem_shared>>
        tpu.enqueue_dma source(%dma_start3A_21 : memref<640x16xf32, #tpu.memory_space<vmem_shared>>) target(%dma_start3A_19 : memref<640x16xf32, #tpu.memory_space<hbm>>) target_semaphore(%run_scoped3A : memref<!tpu.dma_semaphore, #tpu.memory_space<semaphore_mem>>)
        %dma_wait3A = arith.constant 0 : i32
        %dma_wait3A_22 = tpu.memref_slice %arg10[%mul3A_0, %dma_wait3A] : memref<10240x16xf32, #tpu.memory_space<hbm>> -> memref<640x16xf32, #tpu.memory_space<hbm>>
        %dma_wait3A_23 = arith.constant 0 : i32
        %dma_wait3A_24 = tpu.memref_slice %arg12[%mul3A_0, %dma_wait3A_23] : memref<10240x16xf32, #tpu.memory_space<vmem_shared>> -> memref<640x16xf32, #tpu.memory_space<vmem_shared>>
        tpu.wait_dma2 semaphore(%run_scoped3A : memref<!tpu.dma_semaphore, #tpu.memory_space<semaphore_mem>>) src(%dma_wait3A_24 : memref<640x16xf32, #tpu.memory_space<vmem_shared>>) dst(%dma_wait3A_22 : memref<640x16xf32, #tpu.memory_space<hbm>>)
        tpu.yield
      }) : () -> ()
    } else {
    }
    return
  }
}

module attributes {stable_mosaic.version = 14 : i64} {
  func.func @_k1_body(%arg0: memref<10000x128xf32, #tpu.memory_space<vmem>>, %arg1: memref<128x128xf32, #tpu.memory_space<vmem>>, %arg2: memref<1x128xf32, #tpu.memory_space<vmem>>, %arg3: memref<10000x128xf32, #tpu.memory_space<vmem>>) attributes {dimension_semantics = [], scalar_prefetch = 0 : i64, scratch_operands = 0 : i64, tpu.core_type = #tpu.core_type<tc>} {
    %get3A = arith.constant 0 : index
    %get3A_0 = arith.constant 0 : index
    %get3A_1 = vector.load %arg0[%get3A, %get3A_0] : memref<10000x128xf32, #tpu.memory_space<vmem>>, vector<10000x128xf32>
    %get3A_2 = arith.constant 0 : index
    %get3A_3 = arith.constant 0 : index
    %get3A_4 = vector.load %arg1[%get3A_2, %get3A_3] : memref<128x128xf32, #tpu.memory_space<vmem>>, vector<128x128xf32>
    %dot_general3A = arith.constant dense<0.000000e+00> : vector<10000x128xf32>
    %dot_general3A_5 = tpu.matmul %get3A_1, %get3A_4, %dot_general3A {dimension_numbers = #tpu.dot_dimension_numbers<[1], [0], [0], [1], [0, 0, 1, 1], [], []>, transpose_lhs_hint = false} : vector<10000x128xf32>, vector<128x128xf32>, vector<10000x128xf32> -> vector<10000x128xf32>
    %get3A_6 = arith.constant 0 : index
    %get3A_7 = arith.constant 0 : index
    %get3A_8 = vector.load %arg2[%get3A_6, %get3A_7] : memref<1x128xf32, #tpu.memory_space<vmem>>, vector<1x128xf32>
    %add3A = vector.broadcast %get3A_8 : vector<1x128xf32> to vector<10000x128xf32>
    %add3A_9 = arith.addf %dot_general3A_5, %add3A : vector<10000x128xf32>
    %swap3A = arith.constant 0 : index
    %swap3A_10 = arith.constant 0 : index
    %swap3A_11 = vector.load %arg3[%swap3A, %swap3A_10] : memref<10000x128xf32, #tpu.memory_space<vmem>>, vector<10000x128xf32>
    tpu.vector_store %arg3[%swap3A, %swap3A_10], %add3A_9 {strides = array<i32>} : memref<10000x128xf32, #tpu.memory_space<vmem>>, vector<10000x128xf32>,
    return
  }
}

module attributes {stable_mosaic.version = 14 : i64} {
  func.func @_k3_body(%arg0: i32, %arg1: memref<1024x128xf32, #tpu.memory_space<vmem>>, %arg2: memref<1024x128xf32, #tpu.memory_space<vmem>>, %arg3: memref<1024x16xf32, #tpu.memory_space<vmem>>, %arg4: memref<1024x16xf32, #tpu.memory_space<vmem>>, %arg5: memref<128x128xf32, #tpu.memory_space<vmem>>, %arg6: memref<128x128xf32, #tpu.memory_space<vmem>>, %arg7: memref<1x128xf32, #tpu.memory_space<vmem>>, %arg8: memref<128x128xf32, #tpu.memory_space<vmem>>, %arg9: memref<1x128xf32, #tpu.memory_space<vmem>>, %arg10: memref<128x1xf32, #tpu.memory_space<vmem>>, %arg11: memref<128x1xf32, #tpu.memory_space<vmem>>, %arg12: memref<1x1xf32, #tpu.memory_space<vmem>>, %arg13: memref<128x128xf32, #tpu.memory_space<vmem>>, %arg14: memref<128x128xf32, #tpu.memory_space<vmem>>, %arg15: memref<1x128xf32, #tpu.memory_space<vmem>>, %arg16: memref<1x128xf32, #tpu.memory_space<vmem>>, %arg17: memref<128x128xf32, #tpu.memory_space<vmem>>, %arg18: memref<1x128xf32, #tpu.memory_space<vmem>>, %arg19: memref<128x1xf32, #tpu.memory_space<vmem>>, %arg20: memref<1024x128xf32, #tpu.memory_space<vmem>>, %arg21: memref<1024x128xf32, #tpu.memory_space<vmem>>, %arg22: memref<1024x16xf32, #tpu.memory_space<vmem>>) attributes {dimension_semantics = [#tpu.dimension_semantics<arbitrary>], iteration_bounds = array<i64: 316>, scalar_prefetch = 0 : i64, scratch_operands = 0 : i64, tpu.core_type = #tpu.core_type<tc>, window_params = [{transform_indices = @transform_0, window_bounds = array<i64: 1024, 128>}, {transform_indices = @transform_1, window_bounds = array<i64: 1024, 128>}, {transform_indices = @transform_2, window_bounds = array<i64: 1024, 16>}, {transform_indices = @transform_3, window_bounds = array<i64: 1024, 16>}, {pipeline_mode = #tpu.pipeline_mode<synchronous>, transform_indices = @transform_4, window_bounds = array<i64: 128, 128>}, {pipeline_mode = #tpu.pipeline_mode<synchronous>, transform_indices = @transform_5, window_bounds = array<i64: 128, 128>}, {pipeline_mode = #tpu.pipeline_mode<synchronous>, transform_indices = @transform_6, window_bounds = array<i64: 1, 128>}, {pipeline_mode = #tpu.pipeline_mode<synchronous>, transform_indices = @transform_7, window_bounds = array<i64: 128, 128>}, {pipeline_mode = #tpu.pipeline_mode<synchronous>, transform_indices = @transform_8, window_bounds = array<i64: 1, 128>}, {pipeline_mode = #tpu.pipeline_mode<synchronous>, transform_indices = @transform_9, window_bounds = array<i64: 128, 1>}, {pipeline_mode = #tpu.pipeline_mode<synchronous>, transform_indices = @transform_10, window_bounds = array<i64: 128, 1>}, {pipeline_mode = #tpu.pipeline_mode<synchronous>, transform_indices = @transform_11, window_bounds = array<i64: 1, 1>}, {pipeline_mode = #tpu.pipeline_mode<synchronous>, transform_indices = @transform_12, window_bounds = array<i64: 128, 128>}, {pipeline_mode = #tpu.pipeline_mode<synchronous>, transform_indices = @transform_13, window_bounds = array<i64: 128, 128>}, {pipeline_mode = #tpu.pipeline_mode<synchronous>, transform_indices = @transform_14, window_bounds = array<i64: 1, 128>}, {pipeline_mode = #tpu.pipeline_mode<synchronous>, transform_indices = @transform_15, window_bounds = array<i64: 1, 128>}, {pipeline_mode = #tpu.pipeline_mode<synchronous>, transform_indices = @transform_16, window_bounds = array<i64: 128, 128>}, {pipeline_mode = #tpu.pipeline_mode<synchronous>, transform_indices = @transform_17, window_bounds = array<i64: 1, 128>}, {pipeline_mode = #tpu.pipeline_mode<synchronous>, transform_indices = @transform_18, window_bounds = array<i64: 128, 1>}, {transform_indices = @transform_19, window_bounds = array<i64: 1024, 128>}, {transform_indices = @transform_20, window_bounds = array<i64: 1024, 128>}, {transform_indices = @transform_21, window_bounds = array<i64: 1024, 16>}]} {
    %get3A = arith.constant 0 : index
    %get3A_0 = arith.constant 0 : index
    %get3A_1 = vector.load %arg1[%get3A, %get3A_0] : memref<1024x128xf32, #tpu.memory_space<vmem>>, vector<1024x128xf32>
    %get3A_2 = arith.constant 0 : index
    %get3A_3 = arith.constant 0 : index
    %get3A_4 = vector.load %arg2[%get3A_2, %get3A_3] : memref<1024x128xf32, #tpu.memory_space<vmem>>, vector<1024x128xf32>
    %get3A_5 = arith.constant 0 : index
    %get3A_6 = arith.constant 0 : index
    %get3A_7 = vector.load %arg5[%get3A_5, %get3A_6] : memref<128x128xf32, #tpu.memory_space<vmem>>, vector<128x128xf32>
    %dot_general3A = arith.constant dense<0.000000e+00> : vector<1024x128xf32>
    %dot_general3A_8 = tpu.matmul %get3A_1, %get3A_7, %dot_general3A {dimension_numbers = #tpu.dot_dimension_numbers<[1], [0], [0], [1], [0, 0, 1, 1], [], []>, transpose_lhs_hint = false} : vector<1024x128xf32>, vector<128x128xf32>, vector<1024x128xf32> -> vector<1024x128xf32>
    %get3A_9 = arith.constant 0 : index
    %get3A_10 = arith.constant 0 : index
    %get3A_11 = vector.load %arg6[%get3A_9, %get3A_10] : memref<128x128xf32, #tpu.memory_space<vmem>>, vector<128x128xf32>
    %dot_general3A_12 = arith.constant dense<0.000000e+00> : vector<1024x128xf32>
    %dot_general3A_13 = tpu.matmul %get3A_4, %get3A_11, %dot_general3A_12 {dimension_numbers = #tpu.dot_dimension_numbers<[1], [0], [0], [1], [0, 0, 1, 1], [], []>, transpose_lhs_hint = false} : vector<1024x128xf32>, vector<128x128xf32>, vector<1024x128xf32> -> vector<1024x128xf32>
    %add3A = arith.addf %dot_general3A_8, %dot_general3A_13 : vector<1024x128xf32>
    %get3A_14 = arith.constant 0 : index
    %get3A_15 = arith.constant 0 : index
    %get3A_16 = vector.load %arg7[%get3A_14, %get3A_15] : memref<1x128xf32, #tpu.memory_space<vmem>>, vector<1x128xf32>
    %add3A_17 = vector.broadcast %get3A_16 : vector<1x128xf32> to vector<1024x128xf32>
    %add3A_18 = arith.addf %add3A, %add3A_17 : vector<1024x128xf32>
    %max3A = arith.constant 0.000000e+00 : f32
    %max3A_19 = vector.broadcast %max3A : f32 to vector<1024x128xf32>
    %max3A_20 = arith.maximumf %add3A_18, %max3A_19 : vector<1024x128xf32>
    %get3A_21 = arith.constant 0 : index
    %get3A_22 = arith.constant 0 : index
    %get3A_23 = vector.load %arg8[%get3A_21, %get3A_22] : memref<128x128xf32, #tpu.memory_space<vmem>>, vector<128x128xf32>
    %dot_general3A_24 = arith.constant dense<0.000000e+00> : vector<1024x128xf32>
    %dot_general3A_25 = tpu.matmul %max3A_20, %get3A_23, %dot_general3A_24 {dimension_numbers = #tpu.dot_dimension_numbers<[1], [0], [0], [1], [0, 0, 1, 1], [], []>, transpose_lhs_hint = false} : vector<1024x128xf32>, vector<128x128xf32>, vector<1024x128xf32> -> vector<1024x128xf32>
    %get3A_26 = arith.constant 0 : index
    %get3A_27 = arith.constant 0 : index
    %get3A_28 = vector.load %arg9[%get3A_26, %get3A_27] : memref<1x128xf32, #tpu.memory_space<vmem>>, vector<1x128xf32>
    %add3A_29 = vector.broadcast %get3A_28 : vector<1x128xf32> to vector<1024x128xf32>
    %add3A_30 = arith.addf %dot_general3A_25, %add3A_29 : vector<1024x128xf32>
    %get3A_31 = arith.constant 0 : index
    %get3A_32 = arith.constant 0 : index
    %get3A_33 = vector.load %arg10[%get3A_31, %get3A_32] : memref<128x1xf32, #tpu.memory_space<vmem>>, vector<128x1xf32>
    %dot_general3A_34 = arith.constant dense<0.000000e+00> : vector<1024x1xf32>
    %dot_general3A_35 = tpu.matmul %get3A_1, %get3A_33, %dot_general3A_34 {dimension_numbers = #tpu.dot_dimension_numbers<[1], [0], [0], [1], [0, 0, 1, 1], [], []>, transpose_lhs_hint = false} : vector<1024x128xf32>, vector<128x1xf32>, vector<1024x1xf32> -> vector<1024x1xf32>
    %get3A_36 = arith.constant 0 : index
    %get3A_37 = arith.constant 0 : index
    %get3A_38 = vector.load %arg11[%get3A_36, %get3A_37] : memref<128x1xf32, #tpu.memory_space<vmem>>, vector<128x1xf32>
    %dot_general3A_39 = arith.constant dense<0.000000e+00> : vector<1024x1xf32>
    %dot_general3A_40 = tpu.matmul %get3A_4, %get3A_38, %dot_general3A_39 {dimension_numbers = #tpu.dot_dimension_numbers<[1], [0], [0], [1], [0, 0, 1, 1], [], []>, transpose_lhs_hint = false} : vector<1024x128xf32>, vector<128x1xf32>, vector<1024x1xf32> -> vector<1024x1xf32>
    %add3A_41 = arith.addf %dot_general3A_35, %dot_general3A_40 : vector<1024x1xf32>
    %get3A_42 = arith.constant 0 : index
    %get3A_43 = arith.constant 0 : index
    %get3A_44 = vector.load %arg12[%get3A_42, %get3A_43] : memref<1x1xf32, #tpu.memory_space<vmem>>, vector<1x1xf32>
    %add3A_45 = vector.broadcast %get3A_44 : vector<1x1xf32> to vector<1024x1xf32>
    %add3A_46 = arith.addf %add3A_41, %add3A_45 : vector<1024x1xf32>
    %exp3A = math.exp %add3A_46 : vector<1024x1xf32>
    %get3A_47 = arith.constant 0 : index
    %get3A_48 = arith.constant 0 : index
    %get3A_49 = vector.load %arg3[%get3A_47, %get3A_48] : memref<1024x16xf32, #tpu.memory_space<vmem>>, vector<1024x3xf32>
    %get3A_50 = arith.constant 0 : index
    %get3A_51 = arith.constant 0 : index
    %get3A_52 = vector.load %arg4[%get3A_50, %get3A_51] : memref<1024x16xf32, #tpu.memory_space<vmem>>, vector<1024x3xf32>
    %sub3A = arith.subf %get3A_49, %get3A_52 : vector<1024x3xf32>
    %mul3A = arith.mulf %sub3A, %sub3A : vector<1024x3xf32>
    %reduce_sum3A = arith.constant dense<0.000000e+00> : vector<1024xf32>
    %reduce_sum3A_53 = vector.multi_reduction <add>, %mul3A, %reduce_sum3A [1] : vector<1024x3xf32> to vector<1024xf32>
    %broadcast_in_dim3A = vector.shape_cast %reduce_sum3A_53 : vector<1024xf32> to vector<1024x1xf32>
    %get3A_54 = arith.constant 0 : index
    %get3A_55 = arith.constant 0 : index
    %get3A_56 = vector.load %arg13[%get3A_54, %get3A_55] : memref<128x128xf32, #tpu.memory_space<vmem>>, vector<128x128xf32>
    %dot_general3A_57 = arith.constant dense<0.000000e+00> : vector<1024x128xf32>
    %dot_general3A_58 = tpu.matmul %get3A_1, %get3A_56, %dot_general3A_57 {dimension_numbers = #tpu.dot_dimension_numbers<[1], [0], [0], [1], [0, 0, 1, 1], [], []>, transpose_lhs_hint = false} : vector<1024x128xf32>, vector<128x128xf32>, vector<1024x128xf32> -> vector<1024x128xf32>
    %get3A_59 = arith.constant 0 : index
    %get3A_60 = arith.constant 0 : index
    %get3A_61 = vector.load %arg14[%get3A_59, %get3A_60] : memref<128x128xf32, #tpu.memory_space<vmem>>, vector<128x128xf32>
    %dot_general3A_62 = arith.constant dense<0.000000e+00> : vector<1024x128xf32>
    %dot_general3A_63 = tpu.matmul %get3A_4, %get3A_61, %dot_general3A_62 {dimension_numbers = #tpu.dot_dimension_numbers<[1], [0], [0], [1], [0, 0, 1, 1], [], []>, transpose_lhs_hint = false} : vector<1024x128xf32>, vector<128x128xf32>, vector<1024x128xf32> -> vector<1024x128xf32>
    %add3A_64 = arith.addf %dot_general3A_58, %dot_general3A_63 : vector<1024x128xf32>
    %get3A_65 = arith.constant 0 : index
    %get3A_66 = arith.constant 0 : index
    %get3A_67 = vector.load %arg15[%get3A_65, %get3A_66] : memref<1x128xf32, #tpu.memory_space<vmem>>, vector<1x128xf32>
    %mul3A_68 = vector.broadcast %broadcast_in_dim3A : vector<1024x1xf32> to vector<1024x128xf32>
    %mul3A_69 = vector.broadcast %get3A_67 : vector<1x128xf32> to vector<1024x128xf32>
    %mul3A_70 = arith.mulf %mul3A_68, %mul3A_69 : vector<1024x128xf32>
    %add3A_71 = arith.addf %add3A_64, %mul3A_70 : vector<1024x128xf32>
    %get3A_72 = arith.constant 0 : index
    %get3A_73 = arith.constant 0 : index
    %get3A_74 = vector.load %arg16[%get3A_72, %get3A_73] : memref<1x128xf32, #tpu.memory_space<vmem>>, vector<1x128xf32>
    %add3A_75 = vector.broadcast %get3A_74 : vector<1x128xf32> to vector<1024x128xf32>
    %add3A_76 = arith.addf %add3A_71, %add3A_75 : vector<1024x128xf32>
    %max3A_77 = arith.constant 0.000000e+00 : f32
    %max3A_78 = vector.broadcast %max3A_77 : f32 to vector<1024x128xf32>
    %max3A_79 = arith.maximumf %add3A_76, %max3A_78 : vector<1024x128xf32>
    %get3A_80 = arith.constant 0 : index
    %get3A_81 = arith.constant 0 : index
    %get3A_82 = vector.load %arg17[%get3A_80, %get3A_81] : memref<128x128xf32, #tpu.memory_space<vmem>>, vector<128x128xf32>
    %dot_general3A_83 = arith.constant dense<0.000000e+00> : vector<1024x128xf32>
    %dot_general3A_84 = tpu.matmul %max3A_79, %get3A_82, %dot_general3A_83 {dimension_numbers = #tpu.dot_dimension_numbers<[1], [0], [0], [1], [0, 0, 1, 1], [], []>, transpose_lhs_hint = false} : vector<1024x128xf32>, vector<128x128xf32>, vector<1024x128xf32> -> vector<1024x128xf32>
    %get3A_85 = arith.constant 0 : index
    %get3A_86 = arith.constant 0 : index
    %get3A_87 = vector.load %arg18[%get3A_85, %get3A_86] : memref<1x128xf32, #tpu.memory_space<vmem>>, vector<1x128xf32>
    %add3A_88 = vector.broadcast %get3A_87 : vector<1x128xf32> to vector<1024x128xf32>
    %add3A_89 = arith.addf %dot_general3A_84, %add3A_88 : vector<1024x128xf32>
    %get3A_90 = arith.constant 0 : index
    %get3A_91 = arith.constant 0 : index
    %get3A_92 = vector.load %arg19[%get3A_90, %get3A_91] : memref<128x1xf32, #tpu.memory_space<vmem>>, vector<128x1xf32>
    %dot_general3A_93 = arith.constant dense<0.000000e+00> : vector<1024x1xf32>
    %dot_general3A_94 = tpu.matmul %add3A_89, %get3A_92, %dot_general3A_93 {dimension_numbers = #tpu.dot_dimension_numbers<[1], [0], [0], [1], [0, 0, 1, 1], [], []>, transpose_lhs_hint = false} : vector<1024x128xf32>, vector<128x1xf32>, vector<1024x1xf32> -> vector<1024x1xf32>
    %mul3A_95 = arith.constant 1024 : i32
    %mul3A_96 = arith.muli %arg0, %mul3A_95 : i32
    %iota3A = tpu.iota {dimensions = array<i32: 0>} : vector<1024x1xi32>
    %add3A_97 = vector.broadcast %mul3A_96 : i32 to vector<1024x1xi32>
    %add3A_98 = arith.addi %add3A_97, %iota3A : vector<1024x1xi32>
    %lt3A = arith.constant 320000 : i32
    %lt3A_99 = vector.broadcast %lt3A : i32 to vector<1024x1xi32>
    %lt3A_100 = arith.cmpi slt, %add3A_98, %lt3A_99 : vector<1024x1xi32>
    %jit3A = arith.constant 1.000000e+00 : f32
    %jit3A_101 = arith.constant 0.000000e+00 : f32
    %broadcast_in_dim3A_102 = vector.broadcast %jit3A : f32 to vector<1024x1xf32>
    %broadcast_in_dim3A_103 = vector.broadcast %jit3A_101 : f32 to vector<1024x1xf32>
    %select_n3A = arith.select %lt3A_100, %broadcast_in_dim3A_102, %broadcast_in_dim3A_103 : vector<1024x1xi1>, vector<1024x1xf32>
    %mul3A_104 = vector.broadcast %exp3A : vector<1024x1xf32> to vector<1024x128xf32>
    %mul3A_105 = arith.mulf %add3A_30, %mul3A_104 : vector<1024x128xf32>
    %mul3A_106 = vector.broadcast %select_n3A : vector<1024x1xf32> to vector<1024x128xf32>
    %mul3A_107 = arith.mulf %mul3A_105, %mul3A_106 : vector<1024x128xf32>
    %swap3A = arith.constant 0 : index
    %swap3A_108 = arith.constant 0 : index
    %swap3A_109 = vector.load %arg20[%swap3A, %swap3A_108] : memref<1024x128xf32, #tpu.memory_space<vmem>>, vector<1024x128xf32>
    tpu.vector_store %arg20[%swap3A, %swap3A_108], %mul3A_107 {strides = array<i32>} : memref<1024x128xf32, #tpu.memory_space<vmem>>, vector<1024x128xf32>,
    %mul3A_110 = vector.broadcast %select_n3A : vector<1024x1xf32> to vector<1024x128xf32>
    %mul3A_111 = arith.mulf %add3A_89, %mul3A_110 : vector<1024x128xf32>
    %swap3A_112 = arith.constant 0 : index
    %swap3A_113 = arith.constant 0 : index
    %swap3A_114 = vector.load %arg21[%swap3A_112, %swap3A_113] : memref<1024x128xf32, #tpu.memory_space<vmem>>, vector<1024x128xf32>
    tpu.vector_store %arg21[%swap3A_112, %swap3A_113], %mul3A_111 {strides = array<i32>} : memref<1024x128xf32, #tpu.memory_space<vmem>>, vector<1024x128xf32>,
    %broadcast_in_dim3A_115 = arith.constant 1.000000e+00 : f32
    %broadcast_in_dim3A_116 = vector.broadcast %broadcast_in_dim3A_115 : f32 to vector<1024x1xf32>
    %mul3A_117 = vector.broadcast %dot_general3A_94 : vector<1024x1xf32> to vector<1024x3xf32>
    %mul3A_118 = arith.mulf %sub3A, %mul3A_117 : vector<1024x3xf32>
    %broadcast_in_dim3A_119 = arith.constant 0.000000e+00 : f32
    %broadcast_in_dim3A_120 = vector.broadcast %broadcast_in_dim3A_119 : f32 to vector<1024x11xf32>
    %concatenate3A = tpu.concatenate %exp3A, %broadcast_in_dim3A_116, %mul3A_118, %broadcast_in_dim3A_120 in 1 : vector<1024x1xf32>, vector<1024x1xf32>, vector<1024x3xf32>, vector<1024x11xf32> -> vector<1024x16xf32>
    %mul3A_121 = vector.broadcast %select_n3A : vector<1024x1xf32> to vector<1024x16xf32>
    %mul3A_122 = arith.mulf %concatenate3A, %mul3A_121 : vector<1024x16xf32>
    %swap3A_123 = arith.constant 0 : index
    %swap3A_124 = arith.constant 0 : index
    %swap3A_125 = vector.load %arg22[%swap3A_123, %swap3A_124] : memref<1024x16xf32, #tpu.memory_space<vmem>>, vector<1024x16xf32>
    tpu.vector_store %arg22[%swap3A_123, %swap3A_124], %mul3A_122 {strides = array<i32>} : memref<1024x16xf32, #tpu.memory_space<vmem>>, vector<1024x16xf32>,
    return
  }
  func.func @transform_0(%arg0: i32) -> (i32, i32) {
    %c0_i32 = arith.constant 0 : i32
    %c0_i32_0 = arith.constant 0 : i32
    return %arg0, %c0_i32 : i32, i32
  }
  func.func @transform_1(%arg0: i32) -> (i32, i32) {
    %c0_i32 = arith.constant 0 : i32
    %c0_i32_0 = arith.constant 0 : i32
    return %arg0, %c0_i32 : i32, i32
  }
  func.func @transform_2(%arg0: i32) -> (i32, i32) {
    %c0_i32 = arith.constant 0 : i32
    %c0_i32_0 = arith.constant 0 : i32
    return %arg0, %c0_i32 : i32, i32
  }
  func.func @transform_3(%arg0: i32) -> (i32, i32) {
    %c0_i32 = arith.constant 0 : i32
    %c0_i32_0 = arith.constant 0 : i32
    return %arg0, %c0_i32 : i32, i32
  }
  func.func @transform_4(%arg0: i32) -> (i32, i32) {
    %c0_i32 = arith.constant 0 : i32
    %c0_i32_0 = arith.constant 0 : i32
    %c0_i32_1 = arith.constant 0 : i32
    return %c0_i32, %c0_i32_0 : i32, i32
  }
  func.func @transform_5(%arg0: i32) -> (i32, i32) {
    %c0_i32 = arith.constant 0 : i32
    %c0_i32_0 = arith.constant 0 : i32
    %c0_i32_1 = arith.constant 0 : i32
    return %c0_i32, %c0_i32_0 : i32, i32
  }
  func.func @transform_6(%arg0: i32) -> (i32, i32) {
    %c0_i32 = arith.constant 0 : i32
    %c0_i32_0 = arith.constant 0 : i32
    %c0_i32_1 = arith.constant 0 : i32
    return %c0_i32, %c0_i32_0 : i32, i32
  }
  func.func @transform_7(%arg0: i32) -> (i32, i32) {
    %c0_i32 = arith.constant 0 : i32
    %c0_i32_0 = arith.constant 0 : i32
    %c0_i32_1 = arith.constant 0 : i32
    return %c0_i32, %c0_i32_0 : i32, i32
  }
  func.func @transform_8(%arg0: i32) -> (i32, i32) {
    %c0_i32 = arith.constant 0 : i32
    %c0_i32_0 = arith.constant 0 : i32
    %c0_i32_1 = arith.constant 0 : i32
    return %c0_i32, %c0_i32_0 : i32, i32
  }
  func.func @transform_9(%arg0: i32) -> (i32, i32) {
    %c0_i32 = arith.constant 0 : i32
    %c0_i32_0 = arith.constant 0 : i32
    %c0_i32_1 = arith.constant 0 : i32
    return %c0_i32, %c0_i32_0 : i32, i32
  }
  func.func @transform_10(%arg0: i32) -> (i32, i32) {
    %c0_i32 = arith.constant 0 : i32
    %c0_i32_0 = arith.constant 0 : i32
    %c0_i32_1 = arith.constant 0 : i32
    return %c0_i32, %c0_i32_0 : i32, i32
  }
  func.func @transform_11(%arg0: i32) -> (i32, i32) {
    %c0_i32 = arith.constant 0 : i32
    %c0_i32_0 = arith.constant 0 : i32
    %c0_i32_1 = arith.constant 0 : i32
    return %c0_i32, %c0_i32_0 : i32, i32
  }
  func.func @transform_12(%arg0: i32) -> (i32, i32) {
    %c0_i32 = arith.constant 0 : i32
    %c0_i32_0 = arith.constant 0 : i32
    %c0_i32_1 = arith.constant 0 : i32
    return %c0_i32, %c0_i32_0 : i32, i32
  }
  func.func @transform_13(%arg0: i32) -> (i32, i32) {
    %c0_i32 = arith.constant 0 : i32
    %c0_i32_0 = arith.constant 0 : i32
    %c0_i32_1 = arith.constant 0 : i32
    return %c0_i32, %c0_i32_0 : i32, i32
  }
  func.func @transform_14(%arg0: i32) -> (i32, i32) {
    %c0_i32 = arith.constant 0 : i32
    %c0_i32_0 = arith.constant 0 : i32
    %c0_i32_1 = arith.constant 0 : i32
    return %c0_i32, %c0_i32_0 : i32, i32
  }
  func.func @transform_15(%arg0: i32) -> (i32, i32) {
    %c0_i32 = arith.constant 0 : i32
    %c0_i32_0 = arith.constant 0 : i32
    %c0_i32_1 = arith.constant 0 : i32
    return %c0_i32, %c0_i32_0 : i32, i32
  }
  func.func @transform_16(%arg0: i32) -> (i32, i32) {
    %c0_i32 = arith.constant 0 : i32
    %c0_i32_0 = arith.constant 0 : i32
    %c0_i32_1 = arith.constant 0 : i32
    return %c0_i32, %c0_i32_0 : i32, i32
  }
  func.func @transform_17(%arg0: i32) -> (i32, i32) {
    %c0_i32 = arith.constant 0 : i32
    %c0_i32_0 = arith.constant 0 : i32
    %c0_i32_1 = arith.constant 0 : i32
    return %c0_i32, %c0_i32_0 : i32, i32
  }
  func.func @transform_18(%arg0: i32) -> (i32, i32) {
    %c0_i32 = arith.constant 0 : i32
    %c0_i32_0 = arith.constant 0 : i32
    %c0_i32_1 = arith.constant 0 : i32
    return %c0_i32, %c0_i32_0 : i32, i32
  }
  func.func @transform_19(%arg0: i32) -> (i32, i32) {
    %c0_i32 = arith.constant 0 : i32
    %c0_i32_0 = arith.constant 0 : i32
    return %arg0, %c0_i32 : i32, i32
  }
  func.func @transform_20(%arg0: i32) -> (i32, i32) {
    %c0_i32 = arith.constant 0 : i32
    %c0_i32_0 = arith.constant 0 : i32
    return %arg0, %c0_i32 : i32, i32
  }
  func.func @transform_21(%arg0: i32) -> (i32, i32) {
    %c0_i32 = arith.constant 0 : i32
    %c0_i32_0 = arith.constant 0 : i32
    return %arg0, %c0_i32 : i32, i32
  }
}

module attributes {stable_mosaic.version = 14 : i64} {
  func.func @_k5_body(%arg0: i32, %arg1: memref<2000x128xf32, #tpu.memory_space<vmem>>, %arg2: memref<2000x128xf32, #tpu.memory_space<vmem>>, %arg3: memref<2000x16xf32, #tpu.memory_space<vmem>>, %arg4: memref<2000x128xf32, #tpu.memory_space<vmem>>, %arg5: memref<2000x3xf32, #tpu.memory_space<vmem>>, %arg6: memref<128x128xf32, #tpu.memory_space<vmem>>, %arg7: memref<128x128xf32, #tpu.memory_space<vmem>>, %arg8: memref<1x128xf32, #tpu.memory_space<vmem>>, %arg9: memref<128x2xf32, #tpu.memory_space<vmem>>, %arg10: memref<1x2xf32, #tpu.memory_space<vmem>>, %arg11: memref<1x128xf32, #tpu.memory_space<vmem>>, %arg12: memref<1x128xf32, #tpu.memory_space<vmem>>, %arg13: memref<2000x128xf32, #tpu.memory_space<vmem>>, %arg14: memref<2000x3xf32, #tpu.memory_space<vmem>>) attributes {dimension_semantics = [#tpu.dimension_semantics<arbitrary>], iteration_bounds = array<i64: 5>, scalar_prefetch = 0 : i64, scratch_operands = 0 : i64, tpu.core_type = #tpu.core_type<tc>, window_params = [{transform_indices = @transform_0, window_bounds = array<i64: 2000, 128>}, {transform_indices = @transform_1, window_bounds = array<i64: 2000, 128>}, {transform_indices = @transform_2, window_bounds = array<i64: 2000, 16>}, {transform_indices = @transform_3, window_bounds = array<i64: 2000, 128>}, {transform_indices = @transform_4, window_bounds = array<i64: 2000, 3>}, {pipeline_mode = #tpu.pipeline_mode<synchronous>, transform_indices = @transform_5, window_bounds = array<i64: 128, 128>}, {pipeline_mode = #tpu.pipeline_mode<synchronous>, transform_indices = @transform_6, window_bounds = array<i64: 128, 128>}, {pipeline_mode = #tpu.pipeline_mode<synchronous>, transform_indices = @transform_7, window_bounds = array<i64: 1, 128>}, {pipeline_mode = #tpu.pipeline_mode<synchronous>, transform_indices = @transform_8, window_bounds = array<i64: 128, 2>}, {pipeline_mode = #tpu.pipeline_mode<synchronous>, transform_indices = @transform_9, window_bounds = array<i64: 1, 2>}, {pipeline_mode = #tpu.pipeline_mode<synchronous>, transform_indices = @transform_10, window_bounds = array<i64: 1, 128>}, {pipeline_mode = #tpu.pipeline_mode<synchronous>, transform_indices = @transform_11, window_bounds = array<i64: 1, 128>}, {transform_indices = @transform_12, window_bounds = array<i64: 2000, 128>}, {transform_indices = @transform_13, window_bounds = array<i64: 2000, 3>}]} {
    %get3A = arith.constant 0 : index
    %get3A_0 = arith.constant 0 : index
    %get3A_1 = vector.load %arg3[%get3A, %get3A_0] : memref<2000x16xf32, #tpu.memory_space<vmem>>, vector<2000x16xf32>
    %slice3A = vector.extract_strided_slice %get3A_1 {offsets = [0, 0], sizes = [2000, 1], strides = [1, 1]} : vector<2000x16xf32> to vector<2000x1xf32>
    %slice3A_2 = vector.extract_strided_slice %get3A_1 {offsets = [0, 1], sizes = [2000, 1], strides = [1, 1]} : vector<2000x16xf32> to vector<2000x1xf32>
    %slice3A_3 = vector.extract_strided_slice %get3A_1 {offsets = [0, 2], sizes = [2000, 3], strides = [1, 1]} : vector<2000x16xf32> to vector<2000x3xf32>
    %get3A_4 = arith.constant 0 : index
    %get3A_5 = arith.constant 0 : index
    %get3A_6 = vector.load %arg1[%get3A_4, %get3A_5] : memref<2000x128xf32, #tpu.memory_space<vmem>>, vector<2000x128xf32>
    %add3A = arith.constant 9.99999971E-10 : f32
    %add3A_7 = vector.broadcast %add3A : f32 to vector<2000x1xf32>
    %add3A_8 = arith.addf %slice3A, %add3A_7 : vector<2000x1xf32>
    %div3A = vector.broadcast %add3A_8 : vector<2000x1xf32> to vector<2000x128xf32>
    %div3A_9 = arith.divf %get3A_6, %div3A : vector<2000x128xf32>
    %get3A_10 = arith.constant 0 : index
    %get3A_11 = arith.constant 0 : index
    %get3A_12 = vector.load %arg2[%get3A_10, %get3A_11] : memref<2000x128xf32, #tpu.memory_space<vmem>>, vector<2000x128xf32>
    %get3A_13 = arith.constant 0 : index
    %get3A_14 = arith.constant 0 : index
    %get3A_15 = vector.load %arg6[%get3A_13, %get3A_14] : memref<128x128xf32, #tpu.memory_space<vmem>>, vector<128x128xf32>
    %dot_general3A = arith.constant dense<0.000000e+00> : vector<2000x128xf32>
    %dot_general3A_16 = tpu.matmul %div3A_9, %get3A_15, %dot_general3A {dimension_numbers = #tpu.dot_dimension_numbers<[1], [0], [0], [1], [0, 0, 1, 1], [], []>, transpose_lhs_hint = false} : vector<2000x128xf32>, vector<128x128xf32>, vector<2000x128xf32> -> vector<2000x128xf32>
    %get3A_17 = arith.constant 0 : index
    %get3A_18 = arith.constant 0 : index
    %get3A_19 = vector.load %arg7[%get3A_17, %get3A_18] : memref<128x128xf32, #tpu.memory_space<vmem>>, vector<128x128xf32>
    %dot_general3A_20 = arith.constant dense<0.000000e+00> : vector<2000x128xf32>
    %dot_general3A_21 = tpu.matmul %get3A_12, %get3A_19, %dot_general3A_20 {dimension_numbers = #tpu.dot_dimension_numbers<[1], [0], [0], [1], [0, 0, 1, 1], [], []>, transpose_lhs_hint = false} : vector<2000x128xf32>, vector<128x128xf32>, vector<2000x128xf32> -> vector<2000x128xf32>
    %add3A_22 = arith.addf %dot_general3A_16, %dot_general3A_21 : vector<2000x128xf32>
    %get3A_23 = arith.constant 0 : index
    %get3A_24 = arith.constant 0 : index
    %get3A_25 = vector.load %arg8[%get3A_23, %get3A_24] : memref<1x128xf32, #tpu.memory_space<vmem>>, vector<1x128xf32>
    %add3A_26 = vector.broadcast %get3A_25 : vector<1x128xf32> to vector<2000x128xf32>
    %add3A_27 = arith.addf %add3A_22, %add3A_26 : vector<2000x128xf32>
    %max3A = arith.constant 0.000000e+00 : f32
    %max3A_28 = vector.broadcast %max3A : f32 to vector<2000x128xf32>
    %max3A_29 = arith.maximumf %add3A_27, %max3A_28 : vector<2000x128xf32>
    %get3A_30 = arith.constant 0 : index
    %get3A_31 = arith.constant 0 : index
    %get3A_32 = vector.load %arg9[%get3A_30, %get3A_31] : memref<128x2xf32, #tpu.memory_space<vmem>>, vector<128x2xf32>
    %dot_general3A_33 = arith.constant dense<0.000000e+00> : vector<2000x2xf32>
    %dot_general3A_34 = tpu.matmul %max3A_29, %get3A_32, %dot_general3A_33 {dimension_numbers = #tpu.dot_dimension_numbers<[1], [0], [0], [1], [0, 0, 1, 1], [], []>, transpose_lhs_hint = false} : vector<2000x128xf32>, vector<128x2xf32>, vector<2000x2xf32> -> vector<2000x2xf32>
    %get3A_35 = arith.constant 0 : index
    %get3A_36 = arith.constant 0 : index
    %get3A_37 = vector.load %arg10[%get3A_35, %get3A_36] : memref<1x2xf32, #tpu.memory_space<vmem>>, vector<1x2xf32>
    %add3A_38 = vector.broadcast %get3A_37 : vector<1x2xf32> to vector<2000x2xf32>
    %add3A_39 = arith.addf %dot_general3A_34, %add3A_38 : vector<2000x2xf32>
    %reduce_max3A = arith.constant dense<0xFF800000> : vector<2000xf32>
    %reduce_max3A_40 = vector.multi_reduction <maximumf>, %add3A_39, %reduce_max3A [1] : vector<2000x2xf32> to vector<2000xf32>
    %broadcast_in_dim3A = vector.shape_cast %reduce_max3A_40 : vector<2000xf32> to vector<2000x1xf32>
    %sub3A = vector.broadcast %broadcast_in_dim3A : vector<2000x1xf32> to vector<2000x2xf32>
    %sub3A_41 = arith.subf %add3A_39, %sub3A : vector<2000x2xf32>
    %exp3A = math.exp %sub3A_41 : vector<2000x2xf32>
    %reduce_sum3A = arith.constant dense<0.000000e+00> : vector<2000xf32>
    %reduce_sum3A_42 = vector.multi_reduction <add>, %exp3A, %reduce_sum3A [1] : vector<2000x2xf32> to vector<2000xf32>
    %broadcast_in_dim3A_43 = vector.shape_cast %reduce_sum3A_42 : vector<2000xf32> to vector<2000x1xf32>
    %div3A_44 = vector.broadcast %broadcast_in_dim3A_43 : vector<2000x1xf32> to vector<2000x2xf32>
    %div3A_45 = arith.divf %exp3A, %div3A_44 : vector<2000x2xf32>
    %slice3A_46 = vector.extract_strided_slice %div3A_45 {offsets = [0, 0], sizes = [2000, 1], strides = [1, 1]} : vector<2000x2xf32> to vector<2000x1xf32>
    %mul3A = vector.broadcast %slice3A_46 : vector<2000x1xf32> to vector<2000x128xf32>
    %mul3A_47 = arith.mulf %mul3A, %div3A_9 : vector<2000x128xf32>
    %slice3A_48 = vector.extract_strided_slice %div3A_45 {offsets = [0, 1], sizes = [2000, 1], strides = [1, 1]} : vector<2000x2xf32> to vector<2000x1xf32>
    %mul3A_49 = vector.broadcast %slice3A_48 : vector<2000x1xf32> to vector<2000x128xf32>
    %mul3A_50 = arith.mulf %mul3A_49, %get3A_12 : vector<2000x128xf32>
    %add3A_51 = arith.addf %mul3A_47, %mul3A_50 : vector<2000x128xf32>
    %get3A_52 = arith.constant 0 : index
    %get3A_53 = arith.constant 0 : index
    %get3A_54 = vector.load %arg4[%get3A_52, %get3A_53] : memref<2000x128xf32, #tpu.memory_space<vmem>>, vector<2000x128xf32>
    %add3A_55 = arith.addf %add3A_51, %get3A_54 : vector<2000x128xf32>
    %reduce_sum3A_56 = arith.constant dense<0.000000e+00> : vector<2000xf32>
    %reduce_sum3A_57 = vector.multi_reduction <add>, %add3A_55, %reduce_sum3A_56 [1] : vector<2000x128xf32> to vector<2000xf32>
    %broadcast_in_dim3A_58 = vector.shape_cast %reduce_sum3A_57 : vector<2000xf32> to vector<2000x1xf32>
    %div3A_59 = arith.constant 1.280000e+02 : f32
    %div3A_60 = vector.broadcast %div3A_59 : f32 to vector<2000x1xf32>
    %div3A_61 = arith.divf %broadcast_in_dim3A_58, %div3A_60 : vector<2000x1xf32>
    %sub3A_62 = vector.broadcast %div3A_61 : vector<2000x1xf32> to vector<2000x128xf32>
    %sub3A_63 = arith.subf %add3A_55, %sub3A_62 : vector<2000x128xf32>
    %mul3A_64 = arith.mulf %sub3A_63, %sub3A_63 : vector<2000x128xf32>
    %reduce_sum3A_65 = arith.constant dense<0.000000e+00> : vector<2000xf32>
    %reduce_sum3A_66 = vector.multi_reduction <add>, %mul3A_64, %reduce_sum3A_65 [1] : vector<2000x128xf32> to vector<2000xf32>
    %broadcast_in_dim3A_67 = vector.shape_cast %reduce_sum3A_66 : vector<2000xf32> to vector<2000x1xf32>
    %div3A_68 = arith.constant 1.280000e+02 : f32
    %div3A_69 = vector.broadcast %div3A_68 : f32 to vector<2000x1xf32>
    %div3A_70 = arith.divf %broadcast_in_dim3A_67, %div3A_69 : vector<2000x1xf32>
    %add3A_71 = arith.constant 9.99999974E-6 : f32
    %add3A_72 = vector.broadcast %add3A_71 : f32 to vector<2000x1xf32>
    %add3A_73 = arith.addf %div3A_70, %add3A_72 : vector<2000x1xf32>
    %sqrt3A = math.sqrt %add3A_73 : vector<2000x1xf32>
    %div3A_74 = vector.broadcast %sqrt3A : vector<2000x1xf32> to vector<2000x128xf32>
    %div3A_75 = arith.divf %sub3A_63, %div3A_74 : vector<2000x128xf32>
    %get3A_76 = arith.constant 0 : index
    %get3A_77 = arith.constant 0 : index
    %get3A_78 = vector.load %arg11[%get3A_76, %get3A_77] : memref<1x128xf32, #tpu.memory_space<vmem>>, vector<1x128xf32>
    %mul3A_79 = vector.broadcast %get3A_78 : vector<1x128xf32> to vector<2000x128xf32>
    %mul3A_80 = arith.mulf %div3A_75, %mul3A_79 : vector<2000x128xf32>
    %get3A_81 = arith.constant 0 : index
    %get3A_82 = arith.constant 0 : index
    %get3A_83 = vector.load %arg12[%get3A_81, %get3A_82] : memref<1x128xf32, #tpu.memory_space<vmem>>, vector<1x128xf32>
    %add3A_84 = vector.broadcast %get3A_83 : vector<1x128xf32> to vector<2000x128xf32>
    %add3A_85 = arith.addf %mul3A_80, %add3A_84 : vector<2000x128xf32>
    %swap3A = arith.constant 0 : index
    %swap3A_86 = arith.constant 0 : index
    %swap3A_87 = vector.load %arg13[%swap3A, %swap3A_86] : memref<2000x128xf32, #tpu.memory_space<vmem>>, vector<2000x128xf32>
    tpu.vector_store %arg13[%swap3A, %swap3A_86], %add3A_85 {strides = array<i32>} : memref<2000x128xf32, #tpu.memory_space<vmem>>, vector<2000x128xf32>,
    %get3A_88 = arith.constant 0 : index
    %get3A_89 = arith.constant 0 : index
    %get3A_90 = vector.load %arg5[%get3A_88, %get3A_89] : memref<2000x3xf32, #tpu.memory_space<vmem>>, vector<2000x3xf32>
    %add3A_91 = arith.constant 1.000000e+00 : f32
    %add3A_92 = vector.broadcast %add3A_91 : f32 to vector<2000x1xf32>
    %add3A_93 = arith.addf %slice3A_2, %add3A_92 : vector<2000x1xf32>
    %div3A_94 = vector.broadcast %add3A_93 : vector<2000x1xf32> to vector<2000x3xf32>
    %div3A_95 = arith.divf %slice3A_3, %div3A_94 : vector<2000x3xf32>
    %add3A_96 = arith.addf %get3A_90, %div3A_95 : vector<2000x3xf32>
    %swap3A_97 = arith.constant 0 : index
    %swap3A_98 = arith.constant 0 : index
    %swap3A_99 = vector.load %arg14[%swap3A_97, %swap3A_98] : memref<2000x3xf32, #tpu.memory_space<vmem>>, vector<2000x3xf32>
    tpu.vector_store %arg14[%swap3A_97, %swap3A_98], %add3A_96 {strides = array<i32>} : memref<2000x3xf32, #tpu.memory_space<vmem>>, vector<2000x3xf32>,
    return
  }
  func.func @transform_0(%arg0: i32) -> (i32, i32) {
    %c0_i32 = arith.constant 0 : i32
    %c0_i32_0 = arith.constant 0 : i32
    return %arg0, %c0_i32 : i32, i32
  }
  func.func @transform_1(%arg0: i32) -> (i32, i32) {
    %c0_i32 = arith.constant 0 : i32
    %c0_i32_0 = arith.constant 0 : i32
    return %arg0, %c0_i32 : i32, i32
  }
  func.func @transform_2(%arg0: i32) -> (i32, i32) {
    %c0_i32 = arith.constant 0 : i32
    %c0_i32_0 = arith.constant 0 : i32
    return %arg0, %c0_i32 : i32, i32
  }
  func.func @transform_3(%arg0: i32) -> (i32, i32) {
    %c0_i32 = arith.constant 0 : i32
    %c0_i32_0 = arith.constant 0 : i32
    return %arg0, %c0_i32 : i32, i32
  }
  func.func @transform_4(%arg0: i32) -> (i32, i32) {
    %c0_i32 = arith.constant 0 : i32
    %c0_i32_0 = arith.constant 0 : i32
    return %arg0, %c0_i32 : i32, i32
  }
  func.func @transform_5(%arg0: i32) -> (i32, i32) {
    %c0_i32 = arith.constant 0 : i32
    %c0_i32_0 = arith.constant 0 : i32
    %c0_i32_1 = arith.constant 0 : i32
    return %c0_i32, %c0_i32_0 : i32, i32
  }
  func.func @transform_6(%arg0: i32) -> (i32, i32) {
    %c0_i32 = arith.constant 0 : i32
    %c0_i32_0 = arith.constant 0 : i32
    %c0_i32_1 = arith.constant 0 : i32
    return %c0_i32, %c0_i32_0 : i32, i32
  }
  func.func @transform_7(%arg0: i32) -> (i32, i32) {
    %c0_i32 = arith.constant 0 : i32
    %c0_i32_0 = arith.constant 0 : i32
    %c0_i32_1 = arith.constant 0 : i32
    return %c0_i32, %c0_i32_0 : i32, i32
  }
  func.func @transform_8(%arg0: i32) -> (i32, i32) {
    %c0_i32 = arith.constant 0 : i32
    %c0_i32_0 = arith.constant 0 : i32
    %c0_i32_1 = arith.constant 0 : i32
    return %c0_i32, %c0_i32_0 : i32, i32
  }
  func.func @transform_9(%arg0: i32) -> (i32, i32) {
    %c0_i32 = arith.constant 0 : i32
    %c0_i32_0 = arith.constant 0 : i32
    %c0_i32_1 = arith.constant 0 : i32
    return %c0_i32, %c0_i32_0 : i32, i32
  }
  func.func @transform_10(%arg0: i32) -> (i32, i32) {
    %c0_i32 = arith.constant 0 : i32
    %c0_i32_0 = arith.constant 0 : i32
    %c0_i32_1 = arith.constant 0 : i32
    return %c0_i32, %c0_i32_0 : i32, i32
  }
  func.func @transform_11(%arg0: i32) -> (i32, i32) {
    %c0_i32 = arith.constant 0 : i32
    %c0_i32_0 = arith.constant 0 : i32
    %c0_i32_1 = arith.constant 0 : i32
    return %c0_i32, %c0_i32_0 : i32, i32
  }
  func.func @transform_12(%arg0: i32) -> (i32, i32) {
    %c0_i32 = arith.constant 0 : i32
    %c0_i32_0 = arith.constant 0 : i32
    return %arg0, %c0_i32 : i32, i32
  }
  func.func @transform_13(%arg0: i32) -> (i32, i32) {
    %c0_i32 = arith.constant 0 : i32
    %c0_i32_0 = arith.constant 0 : i32
    return %arg0, %c0_i32 : i32, i32
  }
}

</mosaic_0001>

<sc_bundles>
// kernel: kernel.10.cloned.1.call-start
scs
__scs_entry_jumppad:
0x0: {  	(pc) =	sbr.rel $0x88, $3  }
0x1: {  	(tag) =	ssettag $0x0;
	lr =	simm.s32 $0x1  }
0x2: {  	[smem:$0x3F8B] =	sst lr;
	_ =	strace $0xD0000000  }
0x3: {  	_ = 	snop  }
0x4: {  	_ = 	snop  }
0x5: {  	_ = 	snop  }
0x6: {  	_ = 	snop  }
0x7: {  	_ = 	snop  }
__scs_overlays_trampoline_lowered:
0x8: {  	[smem:$0x3F9A] =	sst s0  }
0x9: {  	[smem:$0x3F9B] =	sst s1  }
0xa: {  	[smem:$0x3F9C] =	sst s2  }
0xb: {  	[smem:$0x3F9D] =	sst s3  }
0xc: {  	[smem:$0x3F9E] =	sst s4  }
0xd: {  	[smem:$0x3F9F] =	sst s5  }
0xe: {  	[smem:$0x3FA0] =	sst s6  }
0xf: {  	[smem:$0x3FA1] =	sst s7  }
0x10: {  	[smem:$0x3FA2] =	sst s8  }
0x11: {  	[smem:$0x3FA3] =	sst s9;
	s0 =	simm.s32 @!p0 $0x0  }
0x12: {  	s1 =	sld [smem:$0x3F89];
	s0 =	simm.s32 @p0 $0x1  }
0x13: {  	[smem:$0x3FA4] =	sst s0;
	s0 =	simm.s32 @!p1 $0x0  }
0x14: {  	s2 =	sld [smem:$0x3F88];
	s0 =	simm.s32 @p1 $0x1  }
0x15: {  	[smem:$0x3FA5] =	sst s0;
	s0 =	simm.s32 @!p2 $0x0  }
0x16: {  	s3 =	sld [smem:$0x3FDB];
	s0 =	simm.s32 @p2 $0x1  }
0x17: {  	s4 =	simm.s32 $0x1BF5;
	[smem:$0x3FA7] =	sst s0  }
0x18: {  	s0 =	sld [smem:$0x3F8A];
	_ =	swait.ge [sflag:s4], $0x0  }
0x19: {  	s7 =	sld [smem:$0x3F8B]  }
0x1a: {  	s8 =	sadd.s32 $0xFFFFE003, lr  }
0x1b: {  	s9 =	sadd.s32 $0xFFFFFEF7, lr;
	s5 =	simm.s32 $0xFFFFFFFF;
	p2 =	slt.u32 s8, $0xFFFFF086  }
0x1c: {  	p1 =	slt.u32 s9, $0xF7A;
	s5 =	simm.s32 @!p2 $0x0  }
0x1d: {  	s5 =	simm.s32 @p1 $0x1;
	p0 =	seq.s32 s7, s2  }
0x1e: {  	s7 =	smul.u32 @!p0 $0xF7A, s2;
	p2 =	seq.s32 @!p0 s5, $0x0  }
0x1f: {  	s9 =	smul.u32 $0xF7A, s1;
	s8 =	simm.s32 @!p0 $0x1BF5;
	p2 =	por !p2, p0  }
0x20: {  	[sflag:s8] =	ssyncset.s32 @!p0 $0xFFFFF086;
	s6 =	sadd.s32 @!p0 s3, s7;
	s7 =	simm.s32 @!p0 $0x108  }
0x21: {  	s3 =	sadd.s32 s3, s9;
	s6 =	sadd.s32 @!p0 $0x88, s6;
	s7 =	simm.s32 @p2 $0x1082  }
0x22: {  	[simem:s7], [sflag:s8] =	dma.local @!p0 [hbm:s6], $0xF7A  }
0x23: {  	s9 =	sor.u32 $0xD0000000, s2;
	s6 =	simm.s32 $0x108;
	_ =	swait.ge @!p0 [sflag:s8], $0x0  }
0x24: {  	s3 =	sadd.s32 $0x88, s3;
	s6 =	simm.s32 @!p1 $0x1082;
	[sflag:s4] =	ssyncset.s32 $0xFFFFF086  }
0x25: {  	[simem:s6], [sflag:s4] =	dma.local [hbm:s3], $0xF7A  }
0x26: {  	[smem:$0x3F8B] =	sst s1;
	(tag) =	ssettag s2;
	_ =	strace s9  }
0x27: {  	s1 =	sld [smem:$0x3F9B]  }
0x28: {  	s2 =	sld [smem:$0x3F9C]  }
0x29: {  	s4 =	sld [smem:$0x3F9E]  }
0x2a: {  	p0 =	seq.s32 s5, $0x0;
	s5 =	sld [smem:$0x3F9F]  }
0x2b: {  	s6 =	sld [smem:$0x3FA0]  }
0x2c: {  	s7 =	sld [smem:$0x3FA1]  }
0x2d: {  	s3 =	simm.s32 $0x108;
	s8 =	sld [smem:$0x3FA2]  }
0x2e: {  	s3 =	simm.s32 @!p0 $0x1082;
	s9 =	sld [smem:$0x3FA3]  }
0x2f: {  	lr =	sadd.s32 s0, s3;
	s0 =	sld [smem:$0x3F9A]  }
0x30: {  	s3 =	sld [smem:$0x3F9D]  }
0x31: {  	[smem:$0x3FA6] =	sst s10  }
0x32: {  	s10 =	sld [smem:$0x3FA4];
	_ =	sdelay $0x3  }
0x33: {  	p0 =	seq.s32 s10, $0x1;
	s10 =	sld [smem:$0x3FA6];
	_ =	sdelay $0x3  }
0x34: {  	[smem:$0x3FA6] =	sst s10  }
0x35: {  	s10 =	sld [smem:$0x3FA5];
	_ =	sdelay $0x3  }
0x36: {  	p1 =	seq.s32 s10, $0x1;
	s10 =	sld [smem:$0x3FA6];
	_ =	sdelay $0x3  }
0x37: {  	[smem:$0x3FA6] =	sst s10  }
0x38: {  	s10 =	sld [smem:$0x3FA7]  }
0x39: {  	_ = 	snop;
	(pc) =	sbr.ind lr, $3  }
0x3a: {  	_ = 	snop  }
0x3b: {  	_ = 	snop  }
0x3c: {  	p2 =	seq.s32 s10, $0x1;
	s10 =	sld [smem:$0x3FA6]  }
0x3d: {  	_ =	shalt  }
0x3e: {  	_ =	shalt  }
0x3f: {  	_ =	shalt  }
0x40: {  	_ =	shalt  }
0x41: {  	_ =	shalt  }
0x42: {  	_ =	shalt  }
0x43: {  	_ =	shalt  }
0x44: {  	_ =	shalt  }
0x45: {  	_ =	shalt  }
0x46: {  	_ =	shalt  }
0x47: {  	_ =	shalt  }
0x48: {  	_ =	shalt  }
0x49: {  	_ =	shalt  }
0x4a: {  	_ =	shalt  }
0x4b: {  	_ =	shalt  }
0x4c: {  	_ =	shalt  }
0x4d: {  	_ =	shalt  }
0x4e: {  	_ =	shalt  }
0x4f: {  	_ =	shalt  }
0x50: {  	_ =	shalt  }
0x51: {  	_ =	shalt  }
0x52: {  	_ =	shalt  }
0x53: {  	_ =	shalt  }
0x54: {  	_ =	shalt  }
0x55: {  	_ =	shalt  }
0x56: {  	_ =	shalt  }
0x57: {  	_ =	shalt  }
0x58: {  	_ =	shalt  }
0x59: {  	_ =	shalt  }
0x5a: {  	_ =	shalt  }
0x5b: {  	_ =	shalt  }
0x5c: {  	_ =	shalt  }
0x5d: {  	_ =	shalt  }
0x5e: {  	_ =	shalt  }
0x5f: {  	_ =	shalt  }
0x60: {  	_ =	shalt  }
0x61: {  	_ =	shalt  }
0x62: {  	_ =	shalt  }
0x63: {  	_ =	shalt  }
0x64: {  	_ =	shalt  }
0x65: {  	_ =	shalt  }
0x66: {  	_ =	shalt  }
0x67: {  	_ =	shalt  }
0x68: {  	_ =	shalt  }
0x69: {  	_ =	shalt  }
0x6a: {  	_ =	shalt  }
0x6b: {  	_ =	shalt  }
0x6c: {  	_ =	shalt  }
0x6d: {  	_ =	shalt  }
0x6e: {  	_ =	shalt  }
0x6f: {  	_ =	shalt  }
0x70: {  	_ =	shalt  }
0x71: {  	_ =	shalt  }
0x72: {  	_ =	shalt  }
0x73: {  	_ =	shalt  }
0x74: {  	_ =	shalt  }
0x75: {  	_ =	shalt  }
0x76: {  	_ =	shalt  }
0x77: {  	_ =	shalt  }
0x78: {  	_ =	shalt  }
0x79: {  	_ =	shalt  }
0x7a: {  	_ =	shalt  }
0x7b: {  	_ =	shalt  }
0x7c: {  	_ =	shalt  }
0x7d: {  	_ =	shalt  }
0x7e: {  	_ =	shalt  }
0x7f: {  	_ =	shalt  }
0x80: {  	_ =	shalt  }
0x81: {  	_ =	shalt  }
0x82: {  	_ =	shalt  }
0x83: {  	_ =	shalt  }
0x84: {  	_ =	shalt  }
0x85: {  	_ =	shalt  }
0x86: {  	_ =	shalt  }
0x87: {  	_ =	shalt  }
.Lfunc_end0:
.L_simem_size_0:
called_computation.1_lowered:
.L_overlay_start_0:
0x88: {  	s2 =	sld [smem:$0x3FD9]  }
0x89: {  	s3 =	sld [smem:$0x3FFE];
	_ =	sdelay $0x1  }
0x8a: {  	s1 =	srdreg.scid  }
0x8b: {  	s0 =	sand.u32 $0x1, s1  }
0x8c: {  	s14 =	sshll.u32 s0, $0xA;
	s2 =	sadd.s32 s3, s2  }
0x8d: {  	s2 =	sadd.s32 s2, s14  }
0x8e: {  	[smem:$0x3FB2] =	sst s2  }
0x8f: {  	_ = 	snop  }
0x90: {  	s2 =	sld [smem:$0x3FD0];
	_ =	sdelay $0x2  }
0x91: {  	s15 =	simm.s32 $0xA;
	s4 =	simm.s32 $0x10  }
0x92: {  	[smem:s4], [sflag:s15] =	dma.local [hbm:s2], $0x1  }
0x93: {  	_ =	swait.eq [sflag:s15], $0x1  }
0x94: {  	[sflag:s15] =	ssyncset.done $0x0  }
0x95: {  	s16 =	sld [smem:$0x10];
	[sflag:s15] =	ssyncadd.s32 $0xFFFFFFFF  }
0x96: {  	s17 =	sld [smem:$0x11];
	(tm) =	ssettm $0x1  }
0x97: {  	s18 =	sld [smem:$0x3FFB];
	_ =	sdelay $0x3  }
0x98: {  	_ =	strace s18  }
0x99: {  	s4 =	sld [smem:$0x3FFC];
	_ =	sdelay $0x3  }
0x9a: {  	_ =	strace s4  }
0x9b: {  	s4 =	sld [smem:$0x3FFD];
	_ =	sdelay $0x3  }
0x9c: {  	_ =	strace s4  }
0x9d: {  	_ =	strace $0x8FFFFFFF  }
0x9e: {  	s19 =	sld [smem:$0x3FDB];
	_ =	sdelay $0x1  }
0x9f: {  	s5 =	simm.s32 $_scs_section_size  }
0xa0: {  	s6 =	simm.s32 $_size__tile_overlayer_lowered;
	s7 =	simm.s32 $_tile_overlayer_lowered  }
0xa1: {  	s22 =	simm.s32 $0x1BFF;
	s21 =	sshll.u32 s7, $0x1;
	s4 =	sadd.s32 s5, s19  }
0xa2: {  	s8 =	simm.s32 $0x0;
	s20 =	sshll.u32 s6, $0x1;
	s6 =	sadd.s32 s21, s4  }
0xa3: {  	[timem:s8], [sflag:s22] =	dma.local [hbm:s6], s20  }
0xa4: {  	_ =	swait.ge [sflag:s22], s20  }
0xa5: {  	s5 =	ssub.s32 $0x0, s20;
	[sflag:s22] =	ssyncset.done $0x0  }
0xa6: {  	[sflag:s22] =	ssyncadd.s32 s5;
	_ =	sdelay $0x1  }
0xa7: {  	s23 =	simm.s32 $0x1B8B  }
0xa8: {  	_ =	swait.ge [sflag:s23], $0x1  }
0xa9: {  	[sflag:s23] =	ssyncset.done $0x0  }
0xaa: {  	s25 =	simm.s32 $0x1B8E;
	s24 =	sld [smem:$0x3FFE];
	[sflag:s23] =	ssyncadd.s32 $0xFFFFFFFF  }
0xab: {  	s26 =	simm.s32 $execute0_lowered;
	[smem:$0x3FD2] =	sst s25  }
0xac: {  	s6 =	sshll.u32 s26, $0x1;
	_ =	strace $0x80000049;
	[dreg:$0x1] =	wrdreg $0xFFFFFFFF  }
0xad: {  	s28 =	simm.s32 $_size_execute0_lowered;
	s4 =	sadd.s32 s4, s6;
	[dreg:$0x0] =	wrdreg $0x0  }
0xae: {  	s6 =	sshll.u32 s28, $0x1;
	[dreg:$0x2] =	wrdreg s4  }
0xaf: {  	[dreg:$0x3] =	wrdreg s6  }
0xb0: {  	[dreg:$0x4] =	wrdreg $0xC0  }
0xb1: {  	_ =	task [dreg:s8], $0x5FFFF  }
0xb2: {  	[dreg:$0x1] =	wrdreg $0xFFFFFFFF  }
0xb3: {  	[dreg:$0x0] =	wrdreg $0x60  }
0xb4: {  	[dreg:$0x2] =	wrdreg s24  }
0xb5: {  	[dreg:$0x3] =	wrdreg s17  }
0xb6: {  	[dreg:$0x4] =	wrdreg s16  }
0xb7: {  	[dreg:$0x5] =	wrdreg $0x0  }
0xb8: {  	[dreg:$0x6] =	wrdreg $0x140000  }
0xb9: {  	[dreg:$0x7] =	wrdreg $0x9  }
0xba: {  	_ =	task.clear_ibuf [dreg:s8], $0x8FFFF;
	_ =	strace $0x90000049  }
0xbb: {  	s29 =	simm.s32 $0x9;
	_ =	strace $0x8000004B  }
0xbc: {  	_ =	swait.ge [sflag:s29], $0x1  }
0xbd: {  	[sflag:s29] =	ssyncadd.s32 $0xFFFFFFFF  }
0xbe: {  	_ =	strace $0x9000004B  }
0xbf: {  	_ =	sfence  }
0xc0: {  	s30 =	sld [smem:$0x0];
	_ =	sdelay $0x2  }
0xc1: {  	s31 =	sshll.u32 s1, $0xD;
	s1 =	sshrl.u32 s1, $0x2  }
0xc2: {  	s3 =	sand.u32 $0x4000, s31;
	s1 =	sadd.s32 s1, s30  }
0xc3: {  	s0 =	sor.u32 s3, s0;
	s1 =	sshll.u32 s1, $0x11  }
0xc4: {  	s0 =	sor.u32 s1, s0  }
0xc5: {  	s0 =	sadd.s32 $0x8F2B, s0  }
0xc6: {  	[sflag:s0] =	ssyncadd.remote.s32 $0x1  }
0xc7: {  	_ =	sfence.sel $0xFFFF  }
0xc8: {  	[dreg:$0x0] =	wrdreg $0xFFFFFFFF;
	(pc) =	sbr.abs _section_cstart, $3  }
0xc9: {  	[dreg:$0x1] =	wrdreg $0xFFFFFFFF  }
0xca: {  	_ =	task.clear_ibuf [dreg:s8], $0x2FFFF;
	_ =	strace $0x9FFFFFFF  }
0xcb: {  	(tm) =	ssettm $0x7FFFFFFF  }
tec
execute0_lowered:
.L_overlay_start_1:
0x0: {  	(tag) =	ssettag $0x1  }
0x1: {  	s7 =	rddreg [dreg:$0x0]  }
0x2: {  	s1 =	rddreg [dreg:$0x1]  }
0x3: {  	s9 =	rddreg [dreg:$0x2]  }
0x4: {  	s3 =	rddreg [dreg:$0x3]  }
0x5: {  	s4 =	rddreg [dreg:$0x4]  }
0x6: {  	s0 =	rddreg [dreg:$0x5];
	s2 =	stileid.u32  }
0x7: {  	s5 =	simm.s32 $0x0;
	s10 =	srdreg.scid;
	s6 =	smul.u32 $0x4F000, s2  }
0x8: {  	s20 =	simm.s32 $0x16880;
	s21 =	simm.s32 $0x80;
	s8 =	smul.u32 $0x9E00, s2  }
0x9: {  	s22 =	simm.s32 $0x1A880;
	s23 =	simm.s32 $0x0;
	s28 =	smul.u32 $0x9E0, s2  }
0xa: {  	[smem:$0x7FF] =	sst s5;
	s29 =	smul.u32 $0x14000, s2;
	s16 =	sand.u32 $0x1, s10  }
0xb: {  	s17 =	smul.u32 $0x2800, s2;
	s30 =	sshll.u32 s2, $0x6;
	_ =	strace $0x8000004A  }
0xc: {  	s10 =	ssub.s32 $0x2, s16;
	p0 =	sne.s32 s16, $0x0;
	s15 =	sadd.s32 s6, s7  }
0xd: {  	s13 =	sadd.s32 s8, s7;
	s14 =	sadd.s32 s28, s7;
	s6 =	sadd.s32 $0x2BC00, s7  }
0xe: {  	s11 =	sshrl.u32 s29, $0x3;
	s12 =	sshrl.u32 s10, $0x1;
	s18 =	sadd.s32 s29, s3  }
0xf: {  	s31 =	sshrl.u32 s17, $0x3;
	s19 =	sadd.s32 s17, s4;
	s17 =	simm.s32 $0x1  }
.Ltmp0:
0x10: {  	s11 =	sadd.s32 s11, s7;
	s12 =	ssub.s32 s10, s12;
	(pc) =	sbr.rel .LBB2_1-.Ltmp0, $4  }
0x11: {  	s7 =	sor.u32 $0x1C01, s30;
	s9 =	sadd.s32 s9, s31;
	s13 =	sadd.s32 $0x61C00, s13  }
0x12: {  	s14 =	sadd.s32 $0x30C00, s14;
	s16 =	sshrl.u32 s18, $0x3;
	s18 =	sshrl.u32 s19, $0x3  }
0x13: {  	s19 =	simm.s32 $0x16800;
	s8 =	sadd.s32 $0x127C00, s11;
	s10 =	sadd.s32 $0xFFC00, s11  }
0x14: {  	s11 =	smax.u32 s12, $0x1;
	s12 =	sadd.s32 $0x1F3DC00, s15;
	s15 =	sadd.s32 $0x1A4DC00, s15  }
.LBB2_7:
0x15: {  	s26 =	sadd.s32 s26, s14;
	[sflag:s17] =	ssyncadd.s32 $0xFFFFF800  }
0x16: {  	[tilespmem:s19], [sflag:$0x1] =	stream.linear.gather [hbm4b:s26+s5], $0x80, $0x38;
	[tilespmem:$0x1B080] =	vst v63  }
0x17: {  	_ =	swait.ge [sflag:s17], $0x80  }
0x18: {  	[sflag:s17] =	ssyncset.done $0x0  }
0x19: {  	[sflag:s17] =	ssyncadd.s32 $0xFFFFFF80  }
0x1a: {  	[tilespmem:s20], [sflag:$0x1] =	stream.linear.gather [hbm4b:s25+s5], $0x4000, $0x38;
	[tilespmem:$0x1B080] =	vst v63  }
0x1b: {  	_ =	swait.ge [sflag:s17], $0x4000  }
0x1c: {  	[sflag:s17] =	ssyncset.done $0x0  }
0x1d: {  	[sflag:s17] =	ssyncadd.s32 $0xFFFFC000  }
0x1e: {  	[tilespmem:s22], [sflag:$0x1] =	stream.linear.gather [hbm4b:s24+s5], $0x800, $0x38;
	[tilespmem:$0x1B080] =	vst v63  }
0x1f: {  	_ =	swait.ge [sflag:s17], $0x800  }
0x20: {  	[sflag:s17] =	ssyncset.done $0x0  }
0x21: {  	[sflag:s17] =	ssyncadd.s32 $0xFFFFF800  }
0x22: {  	[spmem:s3] =	stream.indirect.scatter.add.f32 [tilespmem:s20], [sflag:$0x1], $0x80, s19, s21, $0xb8;
	[tilespmem:$0x1B080] =	vst v63  }
0x23: {  	_ =	swait.ge [sflag:s17], $0x4000  }
0x24: {  	[sflag:s17] =	ssyncset.done $0x0  }
0x25: {  	[sflag:s17] =	ssyncadd.s32 $0xFFFFC000  }
0x26: {  	[spmem:s4] =	stream.indirect.scatter.add.f32 [tilespmem:s22], [sflag:$0x1], $0x10, s19, s21, $0xb8;
	[tilespmem:$0x1B080] =	vst v63  }
0x27: {  	_ =	swait.ge [sflag:s17], $0x800  }
0x28: {  	[sflag:s17] =	ssyncset.done $0x0  }
0x29: {  	[sflag:s17] =	ssyncadd.s32 $0xFFFFF800  }
0x2a: {  	[bflag:$0x0] =	sbarrier.arrive $0xFFFF  }
0x2b: {  	[hbm:s8], [sflag:s7] =	dma.local [spmem:s16], $0x2800  }
0x2c: {  	_ =	swait.ge [sflag:s17], $0x2800  }
0x2d: {  	[sflag:s17] =	ssyncset.done $0x0  }
0x2e: {  	[sflag:s17] =	ssyncadd.s32 $0xFFFFD800  }
0x2f: {  	[hbm:s9], [sflag:s7] =	dma.local [spmem:s18], $0x500  }
0x30: {  	_ =	swait.ge [sflag:s17], $0x500  }
0x31: {  	[sflag:s17] =	ssyncset.done $0x0  }
0x32: {  	[sflag:s17] =	ssyncadd.s32 $0xFFFFFB00  }
.LBB2_8:
0x33: {  	s23 =	sadd.s32 $0x1, s23  }
0x34: {  	p1 =	sne.s32 s23, s11  }
.Ltmp1:
0x35: {  	_ = 	snop;
	(pc) =	sbr.rel @!p1 .LBB2_9-.Ltmp1, $1  }
0x36: {  	_ =	sdelay $0x3  }
.LBB2_1:
0x37: {  	[spmem:s16], [sflag:s7] =	dma.local [hbm:s6], $0x2800  }
0x38: {  	_ =	swait.ge [sflag:s17], $0x2800  }
0x39: {  	[sflag:s17] =	ssyncset.done $0x0  }
0x3a: {  	[sflag:s17] =	ssyncadd.s32 $0xFFFFD800  }
0x3b: {  	[spmem:s18], [sflag:s7] =	dma.local [hbm:s1], $0x500  }
.Ltmp2:
0x3c: {  	_ =	swait.ge [sflag:s17], $0x500;
	(pc) =	sbr.rel @p0 .LBB2_5-.Ltmp2, $4  }
0x3d: {  	[sflag:s17] =	ssyncset.done $0x0  }
0x3e: {  	[sflag:s17] =	ssyncadd.s32 $0xFFFFFB00  }
0x3f: {  	[bflag:$0x0] =	sbarrier.arrive $0xFFFF  }
0x40: {  	s24 =	sadd.s32 $0x0, s14  }
0x41: {  	[tilespmem:s19], [sflag:$0x1] =	stream.linear.gather [hbm4b:s24+s5], $0x80, $0x38;
	[tilespmem:$0x1B080] =	vst v63  }
0x42: {  	_ =	swait.ge [sflag:s17], $0x80  }
0x43: {  	[sflag:s17] =	ssyncset.done $0x0  }
0x44: {  	[sflag:s17] =	ssyncadd.s32 $0xFFFFFF80  }
0x45: {  	[tilespmem:s20], [sflag:$0x1] =	stream.linear.gather [hbm4b:s15+s5], $0x4000, $0x38;
	[tilespmem:$0x1B080] =	vst v63  }
0x46: {  	_ =	swait.ge [sflag:s17], $0x4000  }
0x47: {  	[sflag:s17] =	ssyncset.done $0x0  }
0x48: {  	[sflag:s17] =	ssyncadd.s32 $0xFFFFC000  }
0x49: {  	[spmem:s3] =	stream.indirect.scatter.add.f32 [tilespmem:s20], [sflag:$0x1], $0x80, s19, s21, $0xb8;
	[tilespmem:$0x1B080] =	vst v63  }
0x4a: {  	s25 =	simm.s32 $0x10;
	_ =	swait.ge [sflag:s17], $0x4000  }
0x4b: {  	s26 =	simm.s32 $0x20;
	s24 =	sadd.s32 $0x800, s15;
	[sflag:s17] =	ssyncset.done $0x0  }
.LBB2_3:
0x4c: {  	s28 =	sadd.s32 s25, s14  }
0x4d: {  	[sflag:s17] =	ssyncadd.s32 $0xFFFFC000;
	s25 =	smov.u32 s26;
	s29 =	sadd.s32 $0x10, s26  }
0x4e: {  	[tilespmem:s19], [sflag:$0x1] =	stream.linear.gather [hbm4b:s28+s5], $0x80, $0x38;
	[tilespmem:$0x1B080] =	vst v63  }
0x4f: {  	p1 =	sne.s32 s26, $0x9D0;
	_ =	swait.ge [sflag:s17], $0x80  }
0x50: {  	[sflag:s17] =	ssyncset.done $0x0  }
0x51: {  	[sflag:s17] =	ssyncadd.s32 $0xFFFFFF80  }
0x52: {  	[tilespmem:s20], [sflag:$0x1] =	stream.linear.gather [hbm4b:s24+s5], $0x4000, $0x38;
	[tilespmem:$0x1B080] =	vst v63  }
0x53: {  	_ =	swait.ge [sflag:s17], $0x4000  }
.Ltmp3:
0x54: {  	[sflag:s17] =	ssyncset.done $0x0;
	(pc) =	sbr.rel @p1 .LBB2_3-.Ltmp3, $4  }
0x55: {  	[sflag:s17] =	ssyncadd.s32 $0xFFFFC000  }
0x56: {  	[spmem:s3] =	stream.indirect.scatter.add.f32 [tilespmem:s20], [sflag:$0x1], $0x80, s19, s21, $0xb8;
	[tilespmem:$0x1B080] =	vst v63  }
0x57: {  	_ =	swait.ge [sflag:s17], $0x4000  }
0x58: {  	s26 =	smov.u32 s29;
	s24 =	sadd.s32 $0x800, s24;
	[sflag:s17] =	ssyncset.done $0x0  }
0x59: {  	s25 =	sadd.s32 s25, s14;
	[sflag:s17] =	ssyncadd.s32 $0xFFFFC000  }
0x5a: {  	[tilespmem:s19], [sflag:$0x1] =	stream.linear.gather [hbm4b:s25+s5], $0x80, $0x38;
	[tilespmem:$0x1B080] =	vst v63  }
0x5b: {  	_ =	swait.ge [sflag:s17], $0x80  }
0x5c: {  	[sflag:s17] =	ssyncset.done $0x0  }
0x5d: {  	[sflag:s17] =	ssyncadd.s32 $0xFFFFFF80  }
0x5e: {  	[tilespmem:s20], [sflag:$0x1] =	stream.linear.gather [hbm4b:s24+s5], $0x4000, $0x38;
	[tilespmem:$0x1B080] =	vst v63  }
0x5f: {  	_ =	swait.ge [sflag:s17], $0x4000  }
0x60: {  	[sflag:s17] =	ssyncset.done $0x0  }
0x61: {  	[sflag:s17] =	ssyncadd.s32 $0xFFFFC000  }
0x62: {  	[spmem:s3] =	stream.indirect.scatter.add.f32 [tilespmem:s20], [sflag:$0x1], $0x80, s19, s21, $0xb8;
	[tilespmem:$0x1B080] =	vst v63  }
0x63: {  	_ =	swait.ge [sflag:s17], $0x4000  }
0x64: {  	[sflag:s17] =	ssyncset.done $0x0  }
0x65: {  	[sflag:s17] =	ssyncadd.s32 $0xFFFFC000  }
.Ltmp4:
0x66: {  	[bflag:$0x0] =	sbarrier.arrive $0xFFFF;
	(pc) =	sbr.rel .LBB2_8-.Ltmp4, $4  }
0x67: {  	[hbm:s10], [sflag:s7] =	dma.local [spmem:s16], $0x2800  }
0x68: {  	_ =	swait.ge [sflag:s17], $0x2800  }
0x69: {  	[sflag:s17] =	ssyncset.done $0x0  }
0x6a: {  	[sflag:s17] =	ssyncadd.s32 $0xFFFFD800  }
.LBB2_5:
0x6b: {  	[tilespmem:s19], [sflag:$0x1] =	stream.linear.gather [hbm4b:s24+s5], $0x80, $0x38;
	[tilespmem:$0x1B080] =	vst v63  }
0x6c: {  	_ =	swait.ge [sflag:s17], $0x80  }
0x6d: {  	[sflag:s17] =	ssyncset.done $0x0  }
0x6e: {  	[sflag:s17] =	ssyncadd.s32 $0xFFFFFF80  }
0x6f: {  	[tilespmem:s20], [sflag:$0x1] =	stream.linear.gather [hbm4b:s12+s5], $0x4000, $0x38;
	[tilespmem:$0x1B080] =	vst v63  }
0x70: {  	_ =	swait.ge [sflag:s17], $0x4000  }
0x71: {  	[sflag:s17] =	ssyncset.done $0x0  }
0x72: {  	[sflag:s17] =	ssyncadd.s32 $0xFFFFC000  }
0x73: {  	[tilespmem:s22], [sflag:$0x1] =	stream.linear.gather [hbm4b:s13+s5], $0x800, $0x38;
	[tilespmem:$0x1B080] =	vst v63  }
0x74: {  	_ =	swait.ge [sflag:s17], $0x800  }
0x75: {  	[sflag:s17] =	ssyncset.done $0x0  }
0x76: {  	[sflag:s17] =	ssyncadd.s32 $0xFFFFF800  }
0x77: {  	[spmem:s3] =	stream.indirect.scatter.add.f32 [tilespmem:s20], [sflag:$0x1], $0x80, s19, s21, $0xb8;
	[tilespmem:$0x1B080] =	vst v63  }
0x78: {  	_ =	swait.ge [sflag:s17], $0x4000  }
0x79: {  	[sflag:s17] =	ssyncset.done $0x0  }
0x7a: {  	[sflag:s17] =	ssyncadd.s32 $0xFFFFC000  }
0x7b: {  	[spmem:s4] =	stream.indirect.scatter.add.f32 [tilespmem:s22], [sflag:$0x1], $0x10, s19, s21, $0xb8;
	[tilespmem:$0x1B080] =	vst v63  }
0x7c: {  	s26 =	simm.s32 $0x10;
	s28 =	simm.s32 $0x20;
	_ =	swait.ge [sflag:s17], $0x800  }
0x7d: {  	s24 =	sadd.s32 $0x100, s13;
	s25 =	sadd.s32 $0x800, s12;
	[sflag:s17] =	ssyncset.done $0x0  }
.LBB2_6:
0x7e: {  	s29 =	sadd.s32 s26, s14  }
0x7f: {  	[sflag:s17] =	ssyncadd.s32 $0xFFFFF800;
	s26 =	smov.u32 s28;
	s30 =	sadd.s32 $0x10, s28  }
0x80: {  	[tilespmem:s19], [sflag:$0x1] =	stream.linear.gather [hbm4b:s29+s5], $0x80, $0x38;
	[tilespmem:$0x1B080] =	vst v63  }
0x81: {  	p1 =	sne.s32 s28, $0x9D0;
	_ =	swait.ge [sflag:s17], $0x80  }
0x82: {  	[sflag:s17] =	ssyncset.done $0x0  }
0x83: {  	[sflag:s17] =	ssyncadd.s32 $0xFFFFFF80  }
0x84: {  	[tilespmem:s20], [sflag:$0x1] =	stream.linear.gather [hbm4b:s25+s5], $0x4000, $0x38;
	[tilespmem:$0x1B080] =	vst v63  }
0x85: {  	_ =	swait.ge [sflag:s17], $0x4000  }
0x86: {  	[sflag:s17] =	ssyncset.done $0x0  }
0x87: {  	[sflag:s17] =	ssyncadd.s32 $0xFFFFC000  }
0x88: {  	[tilespmem:s22], [sflag:$0x1] =	stream.linear.gather [hbm4b:s24+s5], $0x800, $0x38;
	[tilespmem:$0x1B080] =	vst v63  }
0x89: {  	_ =	swait.ge [sflag:s17], $0x800  }
0x8a: {  	[sflag:s17] =	ssyncset.done $0x0  }
0x8b: {  	[sflag:s17] =	ssyncadd.s32 $0xFFFFF800  }
0x8c: {  	[spmem:s3] =	stream.indirect.scatter.add.f32 [tilespmem:s20], [sflag:$0x1], $0x80, s19, s21, $0xb8;
	[tilespmem:$0x1B080] =	vst v63  }
0x8d: {  	_ =	swait.ge [sflag:s17], $0x4000  }
.Ltmp5:
0x8e: {  	[sflag:s17] =	ssyncset.done $0x0;
	(pc) =	sbr.rel @p1 .LBB2_6-.Ltmp5, $4  }
0x8f: {  	[sflag:s17] =	ssyncadd.s32 $0xFFFFC000  }
0x90: {  	[spmem:s4] =	stream.indirect.scatter.add.f32 [tilespmem:s22], [sflag:$0x1], $0x10, s19, s21, $0xb8;
	[tilespmem:$0x1B080] =	vst v63  }
0x91: {  	s28 =	smov.u32 s30;
	_ =	swait.ge [sflag:s17], $0x800  }
0x92: {  	s25 =	sadd.s32 $0x800, s25;
	s24 =	sadd.s32 $0x100, s24;
	[sflag:s17] =	ssyncset.done $0x0  }
.Ltmp6:
0x93: {  	_ = 	snop;
	(pc) =	sbr.rel .LBB2_7-.Ltmp6, $1  }
0x94: {  	_ =	sdelay $0x3  }
.LBB2_9:
0x95: {  	_ =	sfence.sel $0x180000  }
0x96: {  	[bflag:$0x0] =	sbarrier.arrive $0xFFFF  }
0x97: {  	p0 =	sne.s32 s2, $0x0;
	_ =	strace $0x9000004A  }
0x98: {  	s0 =	sadd.s32 @!p0 $0x100000, s0;
	[bflag:$0x2] =	sbarrier.arrive $0xFFFF  }
0x99: {  	[sflag:s0] =	ssyncadd.tile.s32 @!p0 $0x1;
	_ =	shalt  }
.Lfunc_end2:
_tile_overlayer_lowered:
.L_overlay_start_2:
0x9a: {  	(tag) =	ssettag $0x2  }
0x9b: {  	s0 =	rddreg [dreg:$0x0];
	s2 =	stileid.u32  }
0x9c: {  	s1 =	rddreg [dreg:$0x1];
	p0 =	sne.s32 s2, $0x0  }
0x9d: {  	s3 =	rddreg [dreg:$0x2];
	[bflag:$0x3] =	sbarrier.arrive $0xFFFF;
	s2 =	simm.s32 @!p0 $0x1C01  }
0x9e: {  	[timem:s3], [sflag:s2] =	dma.local @!p0 [hbm:s0], s1  }
0x9f: {  	s0 =	simm.s32 @!p0 $0x1  }
0xa0: {  	_ =	swait.ge @!p0 [sflag:s0], s1  }
0xa1: {  	s1 =	ssub.s32 @!p0 $0x0, s1;
	[sflag:s0] =	ssyncset.done @!p0 $0x0  }
0xa2: {  	[sflag:s0] =	ssyncadd.s32 @!p0 s1  }
0xa3: {  	[bflag:$0x3] =	sbarrier.arrive $0xFFFF  }
0xa4: {  	_ =	shalt  }

// kernel: kernel.7.cloned.1.call-start
scs
__scs_entry_jumppad:
0x0: {  	(pc) =	sbr.rel $0x88, $3  }
0x1: {  	(tag) =	ssettag $0x0;
	lr =	simm.s32 $0x1  }
0x2: {  	[smem:$0x3F8B] =	sst lr;
	_ =	strace $0xD0000000  }
0x3: {  	_ = 	snop  }
0x4: {  	_ = 	snop  }
0x5: {  	_ = 	snop  }
0x6: {  	_ = 	snop  }
0x7: {  	_ = 	snop  }
__scs_overlays_trampoline_lowered:
0x8: {  	[smem:$0x3F9A] =	sst s0  }
0x9: {  	[smem:$0x3F9B] =	sst s1  }
0xa: {  	[smem:$0x3F9C] =	sst s2  }
0xb: {  	[smem:$0x3F9D] =	sst s3  }
0xc: {  	[smem:$0x3F9E] =	sst s4  }
0xd: {  	[smem:$0x3F9F] =	sst s5  }
0xe: {  	[smem:$0x3FA0] =	sst s6  }
0xf: {  	[smem:$0x3FA1] =	sst s7  }
0x10: {  	[smem:$0x3FA2] =	sst s8  }
0x11: {  	[smem:$0x3FA3] =	sst s9;
	s0 =	simm.s32 @!p0 $0x0  }
0x12: {  	s1 =	sld [smem:$0x3F89];
	s0 =	simm.s32 @p0 $0x1  }
0x13: {  	[smem:$0x3FA4] =	sst s0;
	s0 =	simm.s32 @!p1 $0x0  }
0x14: {  	s2 =	sld [smem:$0x3F88];
	s0 =	simm.s32 @p1 $0x1  }
0x15: {  	[smem:$0x3FA5] =	sst s0;
	s0 =	simm.s32 @!p2 $0x0  }
0x16: {  	s3 =	sld [smem:$0x3FDB];
	s0 =	simm.s32 @p2 $0x1  }
0x17: {  	s4 =	simm.s32 $0x1BF5;
	[smem:$0x3FA7] =	sst s0  }
0x18: {  	s0 =	sld [smem:$0x3F8A];
	_ =	swait.ge [sflag:s4], $0x0  }
0x19: {  	s7 =	sld [smem:$0x3F8B]  }
0x1a: {  	s8 =	sadd.s32 $0xFFFFE003, lr  }
0x1b: {  	s9 =	sadd.s32 $0xFFFFFEF7, lr;
	s5 =	simm.s32 $0xFFFFFFFF;
	p2 =	slt.u32 s8, $0xFFFFF086  }
0x1c: {  	p1 =	slt.u32 s9, $0xF7A;
	s5 =	simm.s32 @!p2 $0x0  }
0x1d: {  	s5 =	simm.s32 @p1 $0x1;
	p0 =	seq.s32 s7, s2  }
0x1e: {  	s7 =	smul.u32 @!p0 $0xF7A, s2;
	p2 =	seq.s32 @!p0 s5, $0x0  }
0x1f: {  	s9 =	smul.u32 $0xF7A, s1;
	s8 =	simm.s32 @!p0 $0x1BF5;
	p2 =	por !p2, p0  }
0x20: {  	[sflag:s8] =	ssyncset.s32 @!p0 $0xFFFFF086;
	s6 =	sadd.s32 @!p0 s3, s7;
	s7 =	simm.s32 @!p0 $0x108  }
0x21: {  	s3 =	sadd.s32 s3, s9;
	s6 =	sadd.s32 @!p0 $0x88, s6;
	s7 =	simm.s32 @p2 $0x1082  }
0x22: {  	[simem:s7], [sflag:s8] =	dma.local @!p0 [hbm:s6], $0xF7A  }
0x23: {  	s9 =	sor.u32 $0xD0000000, s2;
	s6 =	simm.s32 $0x108;
	_ =	swait.ge @!p0 [sflag:s8], $0x0  }
0x24: {  	s3 =	sadd.s32 $0x88, s3;
	s6 =	simm.s32 @!p1 $0x1082;
	[sflag:s4] =	ssyncset.s32 $0xFFFFF086  }
0x25: {  	[simem:s6], [sflag:s4] =	dma.local [hbm:s3], $0xF7A  }
0x26: {  	[smem:$0x3F8B] =	sst s1;
	(tag) =	ssettag s2;
	_ =	strace s9  }
0x27: {  	s1 =	sld [smem:$0x3F9B]  }
0x28: {  	s2 =	sld [smem:$0x3F9C]  }
0x29: {  	s4 =	sld [smem:$0x3F9E]  }
0x2a: {  	p0 =	seq.s32 s5, $0x0;
	s5 =	sld [smem:$0x3F9F]  }
0x2b: {  	s6 =	sld [smem:$0x3FA0]  }
0x2c: {  	s7 =	sld [smem:$0x3FA1]  }
0x2d: {  	s3 =	simm.s32 $0x108;
	s8 =	sld [smem:$0x3FA2]  }
0x2e: {  	s3 =	simm.s32 @!p0 $0x1082;
	s9 =	sld [smem:$0x3FA3]  }
0x2f: {  	lr =	sadd.s32 s0, s3;
	s0 =	sld [smem:$0x3F9A]  }
0x30: {  	s3 =	sld [smem:$0x3F9D]  }
0x31: {  	[smem:$0x3FA6] =	sst s10  }
0x32: {  	s10 =	sld [smem:$0x3FA4];
	_ =	sdelay $0x3  }
0x33: {  	p0 =	seq.s32 s10, $0x1;
	s10 =	sld [smem:$0x3FA6];
	_ =	sdelay $0x3  }
0x34: {  	[smem:$0x3FA6] =	sst s10  }
0x35: {  	s10 =	sld [smem:$0x3FA5];
	_ =	sdelay $0x3  }
0x36: {  	p1 =	seq.s32 s10, $0x1;
	s10 =	sld [smem:$0x3FA6];
	_ =	sdelay $0x3  }
0x37: {  	[smem:$0x3FA6] =	sst s10  }
0x38: {  	s10 =	sld [smem:$0x3FA7]  }
0x39: {  	_ = 	snop;
	(pc) =	sbr.ind lr, $3  }
0x3a: {  	_ = 	snop  }
0x3b: {  	_ = 	snop  }
0x3c: {  	p2 =	seq.s32 s10, $0x1;
	s10 =	sld [smem:$0x3FA6]  }
0x3d: {  	_ =	shalt  }
0x3e: {  	_ =	shalt  }
0x3f: {  	_ =	shalt  }
0x40: {  	_ =	shalt  }
0x41: {  	_ =	shalt  }
0x42: {  	_ =	shalt  }
0x43: {  	_ =	shalt  }
0x44: {  	_ =	shalt  }
0x45: {  	_ =	shalt  }
0x46: {  	_ =	shalt  }
0x47: {  	_ =	shalt  }
0x48: {  	_ =	shalt  }
0x49: {  	_ =	shalt  }
0x4a: {  	_ =	shalt  }
0x4b: {  	_ =	shalt  }
0x4c: {  	_ =	shalt  }
0x4d: {  	_ =	shalt  }
0x4e: {  	_ =	shalt  }
0x4f: {  	_ =	shalt  }
0x50: {  	_ =	shalt  }
0x51: {  	_ =	shalt  }
0x52: {  	_ =	shalt  }
0x53: {  	_ =	shalt  }
0x54: {  	_ =	shalt  }
0x55: {  	_ =	shalt  }
0x56: {  	_ =	shalt  }
0x57: {  	_ =	shalt  }
0x58: {  	_ =	shalt  }
0x59: {  	_ =	shalt  }
0x5a: {  	_ =	shalt  }
0x5b: {  	_ =	shalt  }
0x5c: {  	_ =	shalt  }
0x5d: {  	_ =	shalt  }
0x5e: {  	_ =	shalt  }
0x5f: {  	_ =	shalt  }
0x60: {  	_ =	shalt  }
0x61: {  	_ =	shalt  }
0x62: {  	_ =	shalt  }
0x63: {  	_ =	shalt  }
0x64: {  	_ =	shalt  }
0x65: {  	_ =	shalt  }
0x66: {  	_ =	shalt  }
0x67: {  	_ =	shalt  }
0x68: {  	_ =	shalt  }
0x69: {  	_ =	shalt  }
0x6a: {  	_ =	shalt  }
0x6b: {  	_ =	shalt  }
0x6c: {  	_ =	shalt  }
0x6d: {  	_ =	shalt  }
0x6e: {  	_ =	shalt  }
0x6f: {  	_ =	shalt  }
0x70: {  	_ =	shalt  }
0x71: {  	_ =	shalt  }
0x72: {  	_ =	shalt  }
0x73: {  	_ =	shalt  }
0x74: {  	_ =	shalt  }
0x75: {  	_ =	shalt  }
0x76: {  	_ =	shalt  }
0x77: {  	_ =	shalt  }
0x78: {  	_ =	shalt  }
0x79: {  	_ =	shalt  }
0x7a: {  	_ =	shalt  }
0x7b: {  	_ =	shalt  }
0x7c: {  	_ =	shalt  }
0x7d: {  	_ =	shalt  }
0x7e: {  	_ =	shalt  }
0x7f: {  	_ =	shalt  }
0x80: {  	_ =	shalt  }
0x81: {  	_ =	shalt  }
0x82: {  	_ =	shalt  }
0x83: {  	_ =	shalt  }
0x84: {  	_ =	shalt  }
0x85: {  	_ =	shalt  }
0x86: {  	_ =	shalt  }
0x87: {  	_ =	shalt  }
.Lfunc_end0:
.L_simem_size_0:
called_computation_lowered:
.L_overlay_start_0:
0x88: {  	s2 =	sld [smem:$0x3FD9]  }
0x89: {  	s3 =	sld [smem:$0x3FFE];
	_ =	sdelay $0x1  }
0x8a: {  	s1 =	srdreg.scid  }
0x8b: {  	s0 =	sand.u32 $0x1, s1  }
0x8c: {  	s14 =	sshll.u32 s0, $0xA;
	s2 =	sadd.s32 s3, s2  }
0x8d: {  	s2 =	sadd.s32 s2, s14  }
0x8e: {  	[smem:$0x3FB2] =	sst s2  }
0x8f: {  	_ = 	snop  }
0x90: {  	s2 =	sld [smem:$0x3FD0];
	_ =	sdelay $0x2  }
0x91: {  	s15 =	simm.s32 $0xA;
	s4 =	simm.s32 $0x10  }
0x92: {  	[smem:s4], [sflag:s15] =	dma.local [hbm:s2], $0x1  }
0x93: {  	_ =	swait.eq [sflag:s15], $0x1  }
0x94: {  	[sflag:s15] =	ssyncset.done $0x0  }
0x95: {  	[sflag:s15] =	ssyncadd.s32 $0xFFFFFFFF  }
0x96: {  	s16 =	sld [smem:$0x10];
	(tm) =	ssettm $0x1  }
0x97: {  	s17 =	sld [smem:$0x3FFB];
	_ =	sdelay $0x3  }
0x98: {  	_ =	strace s17  }
0x99: {  	s3 =	sld [smem:$0x3FFC];
	_ =	sdelay $0x3  }
0x9a: {  	_ =	strace s3  }
0x9b: {  	s3 =	sld [smem:$0x3FFD];
	_ =	sdelay $0x3  }
0x9c: {  	_ =	strace s3  }
0x9d: {  	_ =	strace $0x8FFFFFFF  }
0x9e: {  	s18 =	sld [smem:$0x3FDB];
	_ =	sdelay $0x1  }
0x9f: {  	s19 =	simm.s32 $_scs_section_size  }
0xa0: {  	s5 =	simm.s32 $_size__tile_overlayer_lowered;
	s6 =	simm.s32 $_tile_overlayer_lowered  }
0xa1: {  	s22 =	simm.s32 $0x1BFF;
	s21 =	sshll.u32 s6, $0x1;
	s3 =	sadd.s32 s19, s18  }
0xa2: {  	s7 =	simm.s32 $0x0;
	s20 =	sshll.u32 s5, $0x1;
	s5 =	sadd.s32 s21, s3  }
0xa3: {  	[timem:s7], [sflag:s22] =	dma.local [hbm:s5], s20  }
0xa4: {  	_ =	swait.ge [sflag:s22], s20  }
0xa5: {  	s4 =	ssub.s32 $0x0, s20;
	[sflag:s22] =	ssyncset.done $0x0  }
0xa6: {  	[sflag:s22] =	ssyncadd.s32 s4;
	_ =	sdelay $0x1  }
0xa7: {  	s23 =	simm.s32 $0x1B8B  }
0xa8: {  	_ =	swait.ge [sflag:s23], $0x1  }
0xa9: {  	[sflag:s23] =	ssyncset.done $0x0  }
0xaa: {  	s25 =	simm.s32 $0x1B8E;
	s24 =	sld [smem:$0x3FFE];
	[sflag:s23] =	ssyncadd.s32 $0xFFFFFFFF  }
0xab: {  	s26 =	simm.s32 $execute0_lowered;
	[smem:$0x3FD2] =	sst s25  }
0xac: {  	s5 =	sshll.u32 s26, $0x1;
	_ =	strace $0x80000046;
	[dreg:$0x1] =	wrdreg $0xFFFFFFFF  }
0xad: {  	s28 =	simm.s32 $_size_execute0_lowered;
	s3 =	sadd.s32 s3, s5;
	[dreg:$0x0] =	wrdreg $0x0  }
0xae: {  	s5 =	sshll.u32 s28, $0x1;
	[dreg:$0x2] =	wrdreg s3  }
0xaf: {  	[dreg:$0x3] =	wrdreg s5  }
0xb0: {  	[dreg:$0x4] =	wrdreg $0xC0  }
0xb1: {  	_ =	task [dreg:s7], $0x5FFFF  }
0xb2: {  	[dreg:$0x1] =	wrdreg $0xFFFFFFFF  }
0xb3: {  	[dreg:$0x0] =	wrdreg $0x60  }
0xb4: {  	[dreg:$0x2] =	wrdreg s24  }
0xb5: {  	[dreg:$0x3] =	wrdreg s16  }
0xb6: {  	[dreg:$0x4] =	wrdreg $0x9  }
0xb7: {  	_ =	task.clear_ibuf [dreg:s7], $0x5FFFF;
	_ =	strace $0x90000046  }
0xb8: {  	s29 =	simm.s32 $0x9;
	_ =	strace $0x80000048  }
0xb9: {  	_ =	swait.ge [sflag:s29], $0x1  }
0xba: {  	[sflag:s29] =	ssyncadd.s32 $0xFFFFFFFF  }
0xbb: {  	_ =	strace $0x90000048  }
0xbc: {  	_ =	sfence  }
0xbd: {  	s30 =	sld [smem:$0x0];
	_ =	sdelay $0x2  }
0xbe: {  	s31 =	sshll.u32 s1, $0xD;
	s1 =	sshrl.u32 s1, $0x2  }
0xbf: {  	s3 =	sand.u32 $0x4000, s31;
	s1 =	sadd.s32 s1, s30  }
0xc0: {  	s0 =	sor.u32 s3, s0;
	s1 =	sshll.u32 s1, $0x11  }
0xc1: {  	s0 =	sor.u32 s1, s0  }
0xc2: {  	s0 =	sadd.s32 $0x8F2B, s0  }
0xc3: {  	[sflag:s0] =	ssyncadd.remote.s32 $0x1  }
0xc4: {  	_ =	sfence.sel $0xFFFF  }
0xc5: {  	[dreg:$0x0] =	wrdreg $0xFFFFFFFF;
	(pc) =	sbr.abs _section_cstart, $3  }
0xc6: {  	[dreg:$0x1] =	wrdreg $0xFFFFFFFF  }
0xc7: {  	_ =	task.clear_ibuf [dreg:s7], $0x2FFFF;
	_ =	strace $0x9FFFFFFF  }
0xc8: {  	(tm) =	ssettm $0x7FFFFFFF  }
0xc9: {  	_ =	shalt  }
tec
execute0_lowered:
.L_overlay_start_1:
0x0: {  	(tag) =	ssettag $0x1  }
0x1: {  	s5 =	rddreg [dreg:$0x0]  }
0x2: {  	s11 =	rddreg [dreg:$0x1]  }
0x3: {  	s0 =	rddreg [dreg:$0x2];
	s1 =	stileid.u32  }
0x4: {  	s3 =	srdreg.scid;
	s4 =	smul.u32 $0x4F00, s1  }
0x5: {  	s2 =	simm.s32 $0x0;
	s15 =	simm.s32 $0x4100;
	s8 =	smul.u32 $0x4F000, s1  }
0x6: {  	s16 =	simm.s32 $0x8100;
	s6 =	sand.u32 $0x1, s3;
	s9 =	smul.u32 $0x9E00, s1  }
0x7: {  	s17 =	simm.s32 $0x8900;
	s18 =	simm.s32 $0x1;
	s7 =	smul.u32 $0x2780, s6  }
0x8: {  	s19 =	simm.s32 $0x0;
	[smem:$0x7FF] =	sst s2;
	s29 =	smul.u32 $0x4F00, s6  }
0x9: {  	s3 =	sadd.s32 $0x3AA00, s5;
	s13 =	ssub.s32 $0x2, s6;
	s6 =	smul.u32 $0x27800, s6  }
0xa: {  	_ =	strace $0x80000047;
	s8 =	sadd.s32 s8, s5;
	s7 =	sadd.s32 s7, s4  }
0xb: {  	s30 =	sshrl.u32 s13, $0x1;
	s14 =	sadd.s32 s6, s8;
	s12 =	sshrl.u32 s7, $0x3  }
0xc: {  	s4 =	sadd.s32 $0x2BC00, s5;
	s7 =	sadd.s32 $0x68DC00, s14;
	s10 =	sadd.s32 s12, s5  }
0xd: {  	s5 =	sadd.s32 s9, s5;
	s9 =	ssub.s32 s13, s30;
	s11 =	sadd.s32 s12, s11  }
0xe: {  	s12 =	simm.s32 $0x2;
	s13 =	simm.s32 $0x80;
	s31 =	sadd.s32 s29, s5  }
0xf: {  	s5 =	smax.u32 s9, $0x1;
	s9 =	sadd.s32 $0x19DC00, s14;
	s10 =	sadd.s32 $0x30C00, s10  }
0x10: {  	s14 =	simm.s32 $0x100;
	s6 =	sadd.s32 $0x61C00, s31;
	s8 =	sadd.s32 $0xFFC00, s31  }
.LBB2_1:
0x11: {  	[tilespmem:s2], [sflag:$0x2] =	stream.linear.gather [hbm4b:s11+s2], $0x80, $0x38;
	[tilespmem:$0x9100] =	vst v63  }
0x12: {  	_ =	swait.ge [sflag:s12], $0x80  }
0x13: {  	[sflag:s12] =	ssyncset.done $0x0  }
0x14: {  	[sflag:s12] =	ssyncadd.s32 $0xFFFFFF80  }
0x15: {  	[tilespmem:s13], [sflag:$0x2] =	stream.linear.gather [hbm4b:s10+s2], $0x80, $0x38;
	[tilespmem:$0x9100] =	vst v63  }
0x16: {  	_ =	swait.ge [sflag:s12], $0x80  }
0x17: {  	[sflag:s12] =	ssyncset.done $0x0  }
0x18: {  	[sflag:s12] =	ssyncadd.s32 $0xFFFFFF80  }
0x19: {  	[tilespmem:s14], [sflag:$0x1] =	stream.indirect.gather [hbm4b:s3+s13], $0x80, s2, s13, $0xb8;
	[tilespmem:$0x9100] =	vst v63  }
0x1a: {  	_ = 	snop  }
0x1b: {  	[tilespmem:s15], [sflag:$0x1] =	stream.indirect.gather [hbm4b:s3+s13], $0x80, s13, s13, $0xb8;
	[tilespmem:$0x9100] =	vst v63  }
0x1c: {  	_ = 	snop  }
0x1d: {  	[tilespmem:s16], [sflag:$0x1] =	stream.indirect.gather [hbm4b:s4+s13], $0x10, s2, s13, $0xb8;
	[tilespmem:$0x9100] =	vst v63  }
0x1e: {  	_ = 	snop  }
0x1f: {  	[tilespmem:s17], [sflag:$0x1] =	stream.indirect.gather [hbm4b:s4+s13], $0x10, s13, s13, $0xb8;
	[tilespmem:$0x9100] =	vst v63  }
0x20: {  	_ =	swait.ge [sflag:s18], $0x4000  }
0x21: {  	[sflag:s18] =	ssyncset.done $0x0  }
0x22: {  	[sflag:s18] =	ssyncadd.s32 $0xFFFFC000  }
0x23: {  	_ =	swait.ge [sflag:s18], $0x4000  }
0x24: {  	[sflag:s18] =	ssyncset.done $0x0  }
0x25: {  	[sflag:s18] =	ssyncadd.s32 $0xFFFFC000  }
0x26: {  	_ =	swait.ge [sflag:s18], $0x800  }
0x27: {  	[sflag:s18] =	ssyncset.done $0x0  }
0x28: {  	[sflag:s18] =	ssyncadd.s32 $0xFFFFF800  }
0x29: {  	_ =	swait.ge [sflag:s18], $0x800  }
0x2a: {  	[sflag:s18] =	ssyncset.done $0x0  }
0x2b: {  	[sflag:s18] =	ssyncadd.s32 $0xFFFFF800  }
0x2c: {  	[hbm4b:s9+s2] =	stream.linear.scatter [tilespmem:s14], [sflag:$0x2], $0x4000, $0x38;
	[tilespmem:$0x9100] =	vst v63  }
0x2d: {  	_ =	swait.ge [sflag:s12], $0x4000  }
0x2e: {  	[sflag:s12] =	ssyncset.done $0x0  }
0x2f: {  	[sflag:s12] =	ssyncadd.s32 $0xFFFFC000  }
0x30: {  	[hbm4b:s7+s2] =	stream.linear.scatter [tilespmem:s15], [sflag:$0x2], $0x4000, $0x38;
	[tilespmem:$0x9100] =	vst v63  }
0x31: {  	_ =	swait.ge [sflag:s12], $0x4000  }
0x32: {  	[sflag:s12] =	ssyncset.done $0x0  }
0x33: {  	s20 =	sadd.s32 $0x0, s8;
	[sflag:s12] =	ssyncadd.s32 $0xFFFFC000  }
0x34: {  	[hbm4b:s20+s2] =	stream.linear.scatter [tilespmem:s16], [sflag:$0x2], $0x800, $0x38;
	[tilespmem:$0x9100] =	vst v63  }
0x35: {  	_ =	swait.ge [sflag:s12], $0x800  }
0x36: {  	[sflag:s12] =	ssyncset.done $0x0  }
0x37: {  	s31 =	sadd.s32 $0x0, s6;
	s21 =	sadd.s32 $0x10, s10;
	[sflag:s12] =	ssyncadd.s32 $0xFFFFF800  }
0x38: {  	[hbm4b:s31+s2] =	stream.linear.scatter [tilespmem:s17], [sflag:$0x2], $0x800, $0x38;
	[tilespmem:$0x9100] =	vst v63  }
0x39: {  	s22 =	sadd.s32 $0x10, s11;
	s23 =	smov.u32 s7;
	_ =	swait.ge [sflag:s12], $0x800  }
0x3a: {  	s24 =	smov.u32 s9;
	s20 =	simm.s32 $0x100;
	[sflag:s12] =	ssyncset.done $0x0  }
.LBB2_2:
0x3b: {  	[sflag:s12] =	ssyncadd.s32 $0xFFFFF800  }
0x3c: {  	s23 =	sadd.s32 $0x800, s23;
	s24 =	sadd.s32 $0x800, s24;
	s25 =	smov.u32 s20  }
0x3d: {  	[tilespmem:s2], [sflag:$0x2] =	stream.linear.gather [hbm4b:s22+s2], $0x80, $0x38;
	[tilespmem:$0x9100] =	vst v63  }
0x3e: {  	p0 =	sne.s32 s20, $0x4E00;
	s20 =	sadd.s32 $0x100, s20;
	_ =	swait.ge [sflag:s12], $0x80  }
0x3f: {  	[sflag:s12] =	ssyncset.done $0x0  }
0x40: {  	[sflag:s12] =	ssyncadd.s32 $0xFFFFFF80  }
0x41: {  	[tilespmem:s13], [sflag:$0x2] =	stream.linear.gather [hbm4b:s21+s2], $0x80, $0x38;
	[tilespmem:$0x9100] =	vst v63  }
0x42: {  	_ =	swait.ge [sflag:s12], $0x80  }
0x43: {  	[sflag:s12] =	ssyncset.done $0x0  }
0x44: {  	[sflag:s12] =	ssyncadd.s32 $0xFFFFFF80  }
0x45: {  	[tilespmem:s14], [sflag:$0x1] =	stream.indirect.gather [hbm4b:s3+s13], $0x80, s2, s13, $0xb8;
	[tilespmem:$0x9100] =	vst v63  }
0x46: {  	_ = 	snop  }
0x47: {  	[tilespmem:s15], [sflag:$0x1] =	stream.indirect.gather [hbm4b:s3+s13], $0x80, s13, s13, $0xb8;
	[tilespmem:$0x9100] =	vst v63  }
0x48: {  	_ = 	snop  }
0x49: {  	[tilespmem:s16], [sflag:$0x1] =	stream.indirect.gather [hbm4b:s4+s13], $0x10, s2, s13, $0xb8;
	[tilespmem:$0x9100] =	vst v63  }
0x4a: {  	_ = 	snop  }
0x4b: {  	[tilespmem:s17], [sflag:$0x1] =	stream.indirect.gather [hbm4b:s4+s13], $0x10, s13, s13, $0xb8;
	[tilespmem:$0x9100] =	vst v63  }
0x4c: {  	_ =	swait.ge [sflag:s18], $0x4000  }
0x4d: {  	[sflag:s18] =	ssyncset.done $0x0  }
0x4e: {  	[sflag:s18] =	ssyncadd.s32 $0xFFFFC000  }
0x4f: {  	_ =	swait.ge [sflag:s18], $0x4000  }
0x50: {  	[sflag:s18] =	ssyncset.done $0x0  }
0x51: {  	[sflag:s18] =	ssyncadd.s32 $0xFFFFC000  }
0x52: {  	_ =	swait.ge [sflag:s18], $0x800  }
0x53: {  	[sflag:s18] =	ssyncset.done $0x0  }
0x54: {  	[sflag:s18] =	ssyncadd.s32 $0xFFFFF800  }
0x55: {  	_ =	swait.ge [sflag:s18], $0x800  }
0x56: {  	[sflag:s18] =	ssyncset.done $0x0  }
0x57: {  	[sflag:s18] =	ssyncadd.s32 $0xFFFFF800  }
0x58: {  	[hbm4b:s24+s2] =	stream.linear.scatter [tilespmem:s14], [sflag:$0x2], $0x4000, $0x38;
	[tilespmem:$0x9100] =	vst v63  }
0x59: {  	_ =	swait.ge [sflag:s12], $0x4000  }
0x5a: {  	[sflag:s12] =	ssyncset.done $0x0  }
0x5b: {  	[sflag:s12] =	ssyncadd.s32 $0xFFFFC000  }
0x5c: {  	[hbm4b:s23+s2] =	stream.linear.scatter [tilespmem:s15], [sflag:$0x2], $0x4000, $0x38;
	[tilespmem:$0x9100] =	vst v63  }
0x5d: {  	_ =	swait.ge [sflag:s12], $0x4000  }
0x5e: {  	[sflag:s12] =	ssyncset.done $0x0  }
0x5f: {  	s26 =	sadd.s32 s25, s8;
	[sflag:s12] =	ssyncadd.s32 $0xFFFFC000  }
0x60: {  	[hbm4b:s26+s2] =	stream.linear.scatter [tilespmem:s16], [sflag:$0x2], $0x800, $0x38;
	[tilespmem:$0x9100] =	vst v63  }
0x61: {  	_ =	swait.ge [sflag:s12], $0x800  }
.Ltmp0:
0x62: {  	[sflag:s12] =	ssyncset.done $0x0;
	(pc) =	sbr.rel @p0 .LBB2_2-.Ltmp0, $4  }
0x63: {  	s25 =	sadd.s32 s25, s6;
	[sflag:s12] =	ssyncadd.s32 $0xFFFFF800  }
0x64: {  	[hbm4b:s25+s2] =	stream.linear.scatter [tilespmem:s17], [sflag:$0x2], $0x800, $0x38;
	[tilespmem:$0x9100] =	vst v63  }
0x65: {  	_ =	swait.ge [sflag:s12], $0x800  }
0x66: {  	s22 =	sadd.s32 $0x10, s22;
	s21 =	sadd.s32 $0x10, s21;
	[sflag:s12] =	ssyncset.done $0x0  }
0x67: {  	s19 =	sadd.s32 $0x1, s19  }
0x68: {  	p0 =	sne.s32 s19, s5  }
.Ltmp1:
0x69: {  	_ = 	snop;
	(pc) =	sbr.rel @p0 .LBB2_1-.Ltmp1, $2  }
0x6a: {  	_ =	sdelay $0x2  }
0x6b: {  	[sflag:s12] =	ssyncadd.s32 $0xFFFFF800  }
0x6c: {  	_ =	sfence.sel $0x180000  }
0x6d: {  	[bflag:$0x0] =	sbarrier.arrive $0xFFFF  }
0x6e: {  	p0 =	sne.s32 s1, $0x0;
	_ =	strace $0x90000047  }
0x6f: {  	s0 =	sadd.s32 @!p0 $0x100000, s0;
	[bflag:$0x2] =	sbarrier.arrive $0xFFFF  }
0x70: {  	[sflag:s0] =	ssyncadd.tile.s32 @!p0 $0x1;
	_ =	shalt  }
.Lfunc_end2:
_tile_overlayer_lowered:
.L_overlay_start_2:
0x71: {  	(tag) =	ssettag $0x2  }
0x72: {  	s0 =	rddreg [dreg:$0x0];
	s2 =	stileid.u32  }
0x73: {  	s1 =	rddreg [dreg:$0x1];
	p0 =	sne.s32 s2, $0x0  }
0x74: {  	s3 =	rddreg [dreg:$0x2];
	[bflag:$0x3] =	sbarrier.arrive $0xFFFF;
	s2 =	simm.s32 @!p0 $0x1C02  }
0x75: {  	[timem:s3], [sflag:s2] =	dma.local @!p0 [hbm:s0], s1  }
0x76: {  	s0 =	simm.s32 @!p0 $0x2  }
0x77: {  	_ =	swait.ge @!p0 [sflag:s0], s1  }
0x78: {  	s1 =	ssub.s32 @!p0 $0x0, s1;
	[sflag:s0] =	ssyncset.done @!p0 $0x0  }
0x79: {  	[sflag:s0] =	ssyncadd.s32 @!p0 s1  }
0x7a: {  	[bflag:$0x3] =	sbarrier.arrive $0xFFFF  }
0x7b: {  	_ =	shalt  }

</sc_bundles>
